<compile_context>
chip_gen: v7x
topology: tpu7x:2x2x1
jax: 0.10.2.dev20260603
libtpu: 0.0.44.dev20260713+nightly
codegen_flags: <defaults>
</compile_context>

<pallas_src>
import functools

import jax
import jax.numpy as jnp
from jax import lax
from jax.experimental import pallas as pl
from jax.experimental.pallas import tpu as pltpu
from jax.experimental.pallas import tpu_sc as plsc

HIDDEN = 4096
N_TOK = 16384
NUM_CORES = 2
NUM_SUBCORES = 16
NW = NUM_CORES * NUM_SUBCORES
B_PER_W = N_TOK // NW
CHUNK = 8
N_CHUNKS = B_PER_W // CHUNK
NBUF = 3


def _build():
    mesh = plsc.VectorSubcoreMesh(core_axis_name="c", subcore_axis_name="s")

    @functools.partial(
        pl.kernel,
        mesh=mesh,
        out_type=jax.ShapeDtypeStruct((N_TOK, HIDDEN), jnp.float32),
        scratch_types=[
            pltpu.VMEM((N_CHUNKS, CHUNK), jnp.int32),
            pltpu.VMEM((NBUF, CHUNK, HIDDEN), jnp.float32),
        ] + [pltpu.SemaphoreType.DMA] * (2 * NBUF),
    )
    def emb(ids_hbm, table_hbm, out_hbm, idx_v, rows_v, *sems):
        gsem = list(sems[:NBUF])
        osem = list(sems[NBUF:])
        wid = lax.axis_index("s") * NUM_CORES + lax.axis_index("c")
        base = wid * B_PER_W
        pltpu.sync_copy(ids_hbm.at[pl.ds(wid * N_CHUNKS, N_CHUNKS)], idx_v)

        def g_desc(j, b):
            return pltpu.make_async_copy(
                table_hbm.at[idx_v.at[j]],
                rows_v.at[b],
                gsem[b],
            )

        def o_desc(j, b):
            return pltpu.make_async_copy(
                rows_v.at[b],
                out_hbm.at[pl.ds(base + j * CHUNK, CHUNK)],
                osem[b],
            )

        for b in range(NBUF):
            g_desc(b, b).start()

        def outer(i, carry):
            j0 = i * NBUF
            for b in range(NBUF):
                j = j0 + b

                @pl.when(j < N_CHUNKS)
                def _():
                    g_desc(j, b).wait()
                    o_desc(j, b).start()

                    @pl.when(j + NBUF < N_CHUNKS)
                    def _():
                        o_desc(j, b).wait()
                        g_desc(j + NBUF, b).start()

            return carry

        n_outer = (N_CHUNKS + NBUF - 1) // NBUF
        lax.fori_loop(0, n_outer, outer, 0)

        for j in range(N_CHUNKS - NBUF, N_CHUNKS):
            o_desc(j, j % NBUF).wait()

    return emb


_emb = _build()


def kernel(input_ids, embed_tokens_weight):
    b, s = input_ids.shape
    ids_flat = input_ids.reshape(N_TOK // CHUNK, CHUNK).astype(jnp.int32)
    out = _emb(ids_flat, embed_tokens_weight)
    return out.reshape(b, s, HIDDEN)

# --- scband reference (transcript-rebuilt; emitter-appended) ---
"""Pipeline reference for scband-mixtral-embeddings-42949672960152 (READ-ONLY COPY).

The authoritative reference and input builder live on the scoring server;
editing this copy changes nothing except your own understanding.
"""

import jax, jax.numpy as jnp
import numpy as np

VOCAB_SIZE = 32000
HIDDEN_SIZE = 4096
BATCH = 4
SEQ_LEN = 4096


def setup_inputs(seed: int = 0) -> dict:
    key = jax.random.key(seed)
    k_ids, k_tab = jax.random.split(key)
    input_ids = jax.random.randint(k_ids, (BATCH, SEQ_LEN), 0, VOCAB_SIZE, dtype=jnp.int64 if jax.config.jax_enable_x64 else jnp.int32)
    embed_tokens_weight = jax.random.normal(k_tab, (VOCAB_SIZE, HIDDEN_SIZE), dtype=jnp.float32) * 0.02
    return {"input_ids": input_ids, "embed_tokens_weight": embed_tokens_weight}


def reference(input_ids, embed_tokens_weight):
    # Faithful translation of nn.Embedding lookup:
    # batch_state.hidden_states = self.embed_tokens(batch_state.input_ids)
    hidden_states = jnp.take(embed_tokens_weight, input_ids, axis=0)
    return hidden_states

if __name__ == "__main__":
    import jax
    _d = setup_inputs()
    print(jax.jit(kernel)(*tuple(_d.values())))

</pallas_src>

<mosaic_0001>
#map = affine_map<(d0, d1) -> (0, 0)>
module attributes {stable_mosaic.version = 14 : i64} {
  func.func @emb(%arg0: i32, %arg1: i32, %arg2: memref<2048x8xi32, #tpu.memory_space<hbm>>, %arg3: memref<32000x4096xf32, #tpu.memory_space<hbm>>, %arg4: memref<16384x4096xf32, #tpu.memory_space<hbm>>, %arg5: memref<64x8xi32, #tpu.memory_space<vmem>>, %arg6: memref<3x8x4096xf32, #tpu.memory_space<vmem>>, %arg7: memref<!tpu.dma_semaphore, #tpu.memory_space<semaphore_mem>>, %arg8: memref<!tpu.dma_semaphore, #tpu.memory_space<semaphore_mem>>, %arg9: memref<!tpu.dma_semaphore, #tpu.memory_space<semaphore_mem>>, %arg10: memref<!tpu.dma_semaphore, #tpu.memory_space<semaphore_mem>>, %arg11: memref<!tpu.dma_semaphore, #tpu.memory_space<semaphore_mem>>, %arg12: memref<!tpu.dma_semaphore, #tpu.memory_space<semaphore_mem>>) attributes {dimension_semantics = [#tpu.dimension_semantics<core_parallel>, #tpu.dimension_semantics<subcore_parallel>], iteration_bounds = array<i64: 2, 16>, scalar_prefetch = 0 : i64, scratch_operands = 8 : i64, tpu.core_type = #tpu.core_type<sc_vector_subcore>, window_params = [{transform_indices = #map}, {transform_indices = #map}, {transform_indices = #map}]} {
    %mul3A = arith.constant 2 : i32
    %mul3A_0 = arith.muli %arg1, %mul3A : i32
    %add3A = arith.addi %mul3A_0, %arg0 : i32
    %mul3A_1 = arith.constant 512 : i32
    %mul3A_2 = arith.muli %add3A, %mul3A_1 : i32
    %mul3A_3 = arith.constant 64 : i32
    %mul3A_4 = arith.muli %add3A, %mul3A_3 : i32
    "tpu.region"() ({
      %run_scoped3A = tpu.sem_alloc : memref<!tpu.dma_semaphore, #tpu.memory_space<semaphore_mem>>
      %dma_start3A_89 = arith.constant 0 : i32
      %dma_start3A_90 = tpu.memref_slice %arg2[%mul3A_4, %dma_start3A_89] : memref<2048x8xi32, #tpu.memory_space<hbm>> -> memref<64x8xi32, #tpu.memory_space<hbm>>
      %dma_start3A_91 = arith.constant 0 : i32
      %dma_start3A_92 = tpu.memref_slice %arg2[%mul3A_4, %dma_start3A_91] : memref<2048x8xi32, #tpu.memory_space<hbm>> -> memref<64x8xi32, #tpu.memory_space<hbm>>
      tpu.enqueue_dma source(%dma_start3A_92 : memref<64x8xi32, #tpu.memory_space<hbm>>) target(%arg5 : memref<64x8xi32, #tpu.memory_space<vmem>>) target_semaphore(%run_scoped3A : memref<!tpu.dma_semaphore, #tpu.memory_space<semaphore_mem>>)
      %dma_wait3A_93 = arith.constant 0 : i32
      %dma_wait3A_94 = tpu.memref_slice %arg2[%mul3A_4, %dma_wait3A_93] : memref<2048x8xi32, #tpu.memory_space<hbm>> -> memref<64x8xi32, #tpu.memory_space<hbm>>
      %dma_wait3A_95 = arith.constant 0 : i32
      %dma_wait3A_96 = tpu.memref_slice %arg2[%mul3A_4, %dma_wait3A_95] : memref<2048x8xi32, #tpu.memory_space<hbm>> -> memref<64x8xi32, #tpu.memory_space<hbm>>
      tpu.wait_dma2 semaphore(%run_scoped3A : memref<!tpu.dma_semaphore, #tpu.memory_space<semaphore_mem>>) src(%dma_wait3A_96 : memref<64x8xi32, #tpu.memory_space<hbm>>) dst(%arg5 : memref<64x8xi32, #tpu.memory_space<vmem>>)
      tpu.yield
    }) : () -> ()
    %dma_start3A = arith.constant 0 : i32
    %dma_start3A_5 = arith.constant 0 : i32
    %dma_start3A_6 = arith.constant 0 : i32
    %dma_start3A_7 = arith.constant 0 : i32
    %dma_start3A_8 = tpu.memref_slice %arg6[%dma_start3A_5, %dma_start3A_6, %dma_start3A_7] : memref<3x8x4096xf32, #tpu.memory_space<vmem>> -> memref<1x8x4096xf32, #tpu.memory_space<vmem>>
    %dma_start3A_9 = tpu.memref_squeeze %dma_start3A_8 : memref<1x8x4096xf32, #tpu.memory_space<vmem>> -> memref<8x4096xf32, #tpu.memory_space<vmem>>
    %dma_start3A_10 = arith.constant 0 : i32
    %dma_start3A_11 = tpu.memref_slice %arg5[%dma_start3A, %dma_start3A_10] : memref<64x8xi32, #tpu.memory_space<vmem>> -> memref<1x8xi32, #tpu.memory_space<vmem>>
    %dma_start3A_12 = tpu.memref_squeeze %dma_start3A_11 : memref<1x8xi32, #tpu.memory_space<vmem>> -> memref<8xi32, #tpu.memory_space<vmem>>
    %dma_start3A_13 = arith.constant 0 : i32
    %dma_start3A_14 = arith.constant 0 : i32
    %dma_start3A_15 = tpu.memref_slice %arg3[%dma_start3A_13, %dma_start3A_14] : memref<32000x4096xf32, #tpu.memory_space<hbm>> -> memref<32000x4096xf32, #tpu.memory_space<hbm>>
    tpu.enqueue_indirect_dma source(%dma_start3A_15 : memref<32000x4096xf32, #tpu.memory_space<hbm>>) target(%dma_start3A_9 : memref<8x4096xf32, #tpu.memory_space<vmem>>) offsets(%dma_start3A_12 : memref<8xi32, #tpu.memory_space<vmem>>) semaphore(%arg7 : memref<!tpu.dma_semaphore, #tpu.memory_space<semaphore_mem>>)
    %dma_start3A_16 = arith.constant 1 : i32
    %dma_start3A_17 = arith.constant 1 : i32
    %dma_start3A_18 = arith.constant 0 : i32
    %dma_start3A_19 = arith.constant 0 : i32
    %dma_start3A_20 = tpu.memref_slice %arg6[%dma_start3A_17, %dma_start3A_18, %dma_start3A_19] : memref<3x8x4096xf32, #tpu.memory_space<vmem>> -> memref<1x8x4096xf32, #tpu.memory_space<vmem>>
    %dma_start3A_21 = tpu.memref_squeeze %dma_start3A_20 : memref<1x8x4096xf32, #tpu.memory_space<vmem>> -> memref<8x4096xf32, #tpu.memory_space<vmem>>
    %dma_start3A_22 = arith.constant 0 : i32
    %dma_start3A_23 = tpu.memref_slice %arg5[%dma_start3A_16, %dma_start3A_22] : memref<64x8xi32, #tpu.memory_space<vmem>> -> memref<1x8xi32, #tpu.memory_space<vmem>>
    %dma_start3A_24 = tpu.memref_squeeze %dma_start3A_23 : memref<1x8xi32, #tpu.memory_space<vmem>> -> memref<8xi32, #tpu.memory_space<vmem>>
    %dma_start3A_25 = arith.constant 0 : i32
    %dma_start3A_26 = arith.constant 0 : i32
    %dma_start3A_27 = tpu.memref_slice %arg3[%dma_start3A_25, %dma_start3A_26] : memref<32000x4096xf32, #tpu.memory_space<hbm>> -> memref<32000x4096xf32, #tpu.memory_space<hbm>>
    tpu.enqueue_indirect_dma source(%dma_start3A_27 : memref<32000x4096xf32, #tpu.memory_space<hbm>>) target(%dma_start3A_21 : memref<8x4096xf32, #tpu.memory_space<vmem>>) offsets(%dma_start3A_24 : memref<8xi32, #tpu.memory_space<vmem>>) semaphore(%arg8 : memref<!tpu.dma_semaphore, #tpu.memory_space<semaphore_mem>>)
    %dma_start3A_28 = arith.constant 2 : i32
    %dma_start3A_29 = arith.constant 2 : i32
    %dma_start3A_30 = arith.constant 0 : i32
    %dma_start3A_31 = arith.constant 0 : i32
    %dma_start3A_32 = tpu.memref_slice %arg6[%dma_start3A_29, %dma_start3A_30, %dma_start3A_31] : memref<3x8x4096xf32, #tpu.memory_space<vmem>> -> memref<1x8x4096xf32, #tpu.memory_space<vmem>>
    %dma_start3A_33 = tpu.memref_squeeze %dma_start3A_32 : memref<1x8x4096xf32, #tpu.memory_space<vmem>> -> memref<8x4096xf32, #tpu.memory_space<vmem>>
    %dma_start3A_34 = arith.constant 0 : i32
    %dma_start3A_35 = tpu.memref_slice %arg5[%dma_start3A_28, %dma_start3A_34] : memref<64x8xi32, #tpu.memory_space<vmem>> -> memref<1x8xi32, #tpu.memory_space<vmem>>
    %dma_start3A_36 = tpu.memref_squeeze %dma_start3A_35 : memref<1x8xi32, #tpu.memory_space<vmem>> -> memref<8xi32, #tpu.memory_space<vmem>>
    %dma_start3A_37 = arith.constant 0 : i32
    %dma_start3A_38 = arith.constant 0 : i32
    %dma_start3A_39 = tpu.memref_slice %arg3[%dma_start3A_37, %dma_start3A_38] : memref<32000x4096xf32, #tpu.memory_space<hbm>> -> memref<32000x4096xf32, #tpu.memory_space<hbm>>
    tpu.enqueue_indirect_dma source(%dma_start3A_39 : memref<32000x4096xf32, #tpu.memory_space<hbm>>) target(%dma_start3A_33 : memref<8x4096xf32, #tpu.memory_space<vmem>>) offsets(%dma_start3A_36 : memref<8xi32, #tpu.memory_space<vmem>>) semaphore(%arg9 : memref<!tpu.dma_semaphore, #tpu.memory_space<semaphore_mem>>)
    %scan3A = arith.constant 0 : i32
    %scan3A_40 = arith.constant 0 : i32
    %scan3A_41 = arith.constant 22 : i32
    %scan3A_42 = arith.addi %scan3A_40, %scan3A_41 : i32
    %scan3A_43 = arith.constant 1 : i32
    scf.for %scan3A_89 = %scan3A_40 to %scan3A_42 step %scan3A_43  : i32 {
      %mul3A_90 = arith.constant 3 : i32
      %mul3A_91 = arith.muli %scan3A_89, %mul3A_90 : i32
      %add3A_92 = arith.constant 0 : i32
      %add3A_93 = arith.addi %mul3A_91, %add3A_92 : i32
      %lt3A = arith.constant 64 : i32
      %lt3A_94 = arith.cmpi slt, %add3A_93, %lt3A : i32
      %convert_element_type3A = arith.extui %lt3A_94 : i1 to i32
      %cond3A = arith.constant 0 : i32
      %cond3A_95 = arith.cmpi ne, %convert_element_type3A, %cond3A : i32
      scf.if %cond3A_95 {
        %dma_wait3A_110 = arith.constant 0 : i32
        %dma_wait3A_111 = arith.constant 0 : i32
        %dma_wait3A_112 = arith.constant 0 : i32
        %dma_wait3A_113 = tpu.memref_slice %arg6[%dma_wait3A_110, %dma_wait3A_111, %dma_wait3A_112] : memref<3x8x4096xf32, #tpu.memory_space<vmem>> -> memref<1x8x4096xf32, #tpu.memory_space<vmem>>
        %dma_wait3A_114 = tpu.memref_squeeze %dma_wait3A_113 : memref<1x8x4096xf32, #tpu.memory_space<vmem>> -> memref<8x4096xf32, #tpu.memory_space<vmem>>
        %dma_wait3A_115 = arith.constant 0 : i32
        %dma_wait3A_116 = tpu.memref_slice %arg5[%add3A_93, %dma_wait3A_115] : memref<64x8xi32, #tpu.memory_space<vmem>> -> memref<1x8xi32, #tpu.memory_space<vmem>>
        %dma_wait3A_117 = tpu.memref_squeeze %dma_wait3A_116 : memref<1x8xi32, #tpu.memory_space<vmem>> -> memref<8xi32, #tpu.memory_space<vmem>>
        %dma_wait3A_118 = arith.constant 0 : i32
        %dma_wait3A_119 = arith.constant 0 : i32
        %dma_wait3A_120 = tpu.memref_slice %arg3[%dma_wait3A_118, %dma_wait3A_119] : memref<32000x4096xf32, #tpu.memory_space<hbm>> -> memref<32000x4096xf32, #tpu.memory_space<hbm>>
        tpu.wait_indirect_dma semaphore(%arg7 : memref<!tpu.dma_semaphore, #tpu.memory_space<semaphore_mem>>) src(%dma_wait3A_120 : memref<32000x4096xf32, #tpu.memory_space<hbm>>) dst(%dma_wait3A_114 : memref<8x4096xf32, #tpu.memory_space<vmem>>)
        %mul3A_121 = arith.constant 8 : i32
        %mul3A_122 = arith.muli %add3A_93, %mul3A_121 : i32
        %add3A_123 = arith.addi %mul3A_2, %mul3A_122 : i32
        %dma_start3A_124 = arith.constant 0 : i32
        %dma_start3A_125 = arith.constant 0 : i32
        %dma_start3A_126 = arith.constant 0 : i32
        %dma_start3A_127 = tpu.memref_slice %arg6[%dma_start3A_124, %dma_start3A_125, %dma_start3A_126] : memref<3x8x4096xf32, #tpu.memory_space<vmem>> -> memref<1x8x4096xf32, #tpu.memory_space<vmem>>
        %dma_start3A_128 = tpu.memref_squeeze %dma_start3A_127 : memref<1x8x4096xf32, #tpu.memory_space<vmem>> -> memref<8x4096xf32, #tpu.memory_space<vmem>>
        %dma_start3A_129 = arith.constant 0 : i32
        %dma_start3A_130 = tpu.memref_slice %arg4[%add3A_123, %dma_start3A_129] : memref<16384x4096xf32, #tpu.memory_space<hbm>> -> memref<8x4096xf32, #tpu.memory_space<hbm>>
        %dma_start3A_131 = arith.constant 0 : i32
        %dma_start3A_132 = tpu.memref_slice %arg4[%add3A_123, %dma_start3A_131] : memref<16384x4096xf32, #tpu.memory_space<hbm>> -> memref<8x4096xf32, #tpu.memory_space<hbm>>
        %dma_start3A_133 = arith.constant 0 : i32
        %dma_start3A_134 = arith.constant 0 : i32
        %dma_start3A_135 = tpu.memref_slice %arg6[%dma_start3A_124, %dma_start3A_133, %dma_start3A_134] : memref<3x8x4096xf32, #tpu.memory_space<vmem>> -> memref<1x8x4096xf32, #tpu.memory_space<vmem>>
        %dma_start3A_136 = tpu.memref_squeeze %dma_start3A_135 : memref<1x8x4096xf32, #tpu.memory_space<vmem>> -> memref<8x4096xf32, #tpu.memory_space<vmem>>
        tpu.enqueue_dma source(%dma_start3A_136 : memref<8x4096xf32, #tpu.memory_space<vmem>>) target(%dma_start3A_132 : memref<8x4096xf32, #tpu.memory_space<hbm>>) target_semaphore(%arg10 : memref<!tpu.dma_semaphore, #tpu.memory_space<semaphore_mem>>)
        %add3A_137 = arith.constant 3 : i32
        %add3A_138 = arith.addi %add3A_93, %add3A_137 : i32
        %lt3A_139 = arith.constant 64 : i32
        %lt3A_140 = arith.cmpi slt, %add3A_138, %lt3A_139 : i32
        %convert_element_type3A_141 = arith.extui %lt3A_140 : i1 to i32
        %cond3A_142 = arith.constant 0 : i32
        %cond3A_143 = arith.cmpi ne, %convert_element_type3A_141, %cond3A_142 : i32
        scf.if %cond3A_143 {
          %mul3A_144 = arith.constant 8 : i32
          %mul3A_145 = arith.muli %add3A_93, %mul3A_144 : i32
          %add3A_146 = arith.addi %mul3A_2, %mul3A_145 : i32
          %dma_wait3A_147 = arith.constant 0 : i32
          %dma_wait3A_148 = arith.constant 0 : i32
          %dma_wait3A_149 = arith.constant 0 : i32
          %dma_wait3A_150 = tpu.memref_slice %arg6[%dma_wait3A_147, %dma_wait3A_148, %dma_wait3A_149] : memref<3x8x4096xf32, #tpu.memory_space<vmem>> -> memref<1x8x4096xf32, #tpu.memory_space<vmem>>
          %dma_wait3A_151 = tpu.memref_squeeze %dma_wait3A_150 : memref<1x8x4096xf32, #tpu.memory_space<vmem>> -> memref<8x4096xf32, #tpu.memory_space<vmem>>
          %dma_wait3A_152 = arith.constant 0 : i32
          %dma_wait3A_153 = tpu.memref_slice %arg4[%add3A_146, %dma_wait3A_152] : memref<16384x4096xf32, #tpu.memory_space<hbm>> -> memref<8x4096xf32, #tpu.memory_space<hbm>>
          %dma_wait3A_154 = arith.constant 0 : i32
          %dma_wait3A_155 = tpu.memref_slice %arg4[%add3A_146, %dma_wait3A_154] : memref<16384x4096xf32, #tpu.memory_space<hbm>> -> memref<8x4096xf32, #tpu.memory_space<hbm>>
          %dma_wait3A_156 = arith.constant 0 : i32
          %dma_wait3A_157 = arith.constant 0 : i32
          %dma_wait3A_158 = tpu.memref_slice %arg6[%dma_wait3A_147, %dma_wait3A_156, %dma_wait3A_157] : memref<3x8x4096xf32, #tpu.memory_space<vmem>> -> memref<1x8x4096xf32, #tpu.memory_space<vmem>>
          %dma_wait3A_159 = tpu.memref_squeeze %dma_wait3A_158 : memref<1x8x4096xf32, #tpu.memory_space<vmem>> -> memref<8x4096xf32, #tpu.memory_space<vmem>>
          tpu.wait_dma2 semaphore(%arg10 : memref<!tpu.dma_semaphore, #tpu.memory_space<semaphore_mem>>) src(%dma_wait3A_159 : memref<8x4096xf32, #tpu.memory_space<vmem>>) dst(%dma_wait3A_155 : memref<8x4096xf32, #tpu.memory_space<hbm>>)
          %add3A_160 = arith.constant 3 : i32
          %add3A_161 = arith.addi %add3A_93, %add3A_160 : i32
          %dma_start3A_162 = arith.constant 0 : i32
          %dma_start3A_163 = arith.constant 0 : i32
          %dma_start3A_164 = arith.constant 0 : i32
          %dma_start3A_165 = tpu.memref_slice %arg6[%dma_start3A_162, %dma_start3A_163, %dma_start3A_164] : memref<3x8x4096xf32, #tpu.memory_space<vmem>> -> memref<1x8x4096xf32, #tpu.memory_space<vmem>>
          %dma_start3A_166 = tpu.memref_squeeze %dma_start3A_165 : memref<1x8x4096xf32, #tpu.memory_space<vmem>> -> memref<8x4096xf32, #tpu.memory_space<vmem>>
          %dma_start3A_167 = arith.constant 0 : i32
          %dma_start3A_168 = tpu.memref_slice %arg5[%add3A_161, %dma_start3A_167] : memref<64x8xi32, #tpu.memory_space<vmem>> -> memref<1x8xi32, #tpu.memory_space<vmem>>
          %dma_start3A_169 = tpu.memref_squeeze %dma_start3A_168 : memref<1x8xi32, #tpu.memory_space<vmem>> -> memref<8xi32, #tpu.memory_space<vmem>>
          %dma_start3A_170 = arith.constant 0 : i32
          %dma_start3A_171 = arith.constant 0 : i32
          %dma_start3A_172 = tpu.memref_slice %arg3[%dma_start3A_170, %dma_start3A_171] : memref<32000x4096xf32, #tpu.memory_space<hbm>> -> memref<32000x4096xf32, #tpu.memory_space<hbm>>
          tpu.enqueue_indirect_dma source(%dma_start3A_172 : memref<32000x4096xf32, #tpu.memory_space<hbm>>) target(%dma_start3A_166 : memref<8x4096xf32, #tpu.memory_space<vmem>>) offsets(%dma_start3A_169 : memref<8xi32, #tpu.memory_space<vmem>>) semaphore(%arg7 : memref<!tpu.dma_semaphore, #tpu.memory_space<semaphore_mem>>)
        } else {
        }
      } else {
      }
      %add3A_96 = arith.constant 1 : i32
      %add3A_97 = arith.addi %mul3A_91, %add3A_96 : i32
      %lt3A_98 = arith.constant 64 : i32
      %lt3A_99 = arith.cmpi slt, %add3A_97, %lt3A_98 : i32
      %convert_element_type3A_100 = arith.extui %lt3A_99 : i1 to i32
      %cond3A_101 = arith.constant 0 : i32
      %cond3A_102 = arith.cmpi ne, %convert_element_type3A_100, %cond3A_101 : i32
      scf.if %cond3A_102 {
        %dma_wait3A_110 = arith.constant 1 : i32
        %dma_wait3A_111 = arith.constant 0 : i32
        %dma_wait3A_112 = arith.constant 0 : i32
        %dma_wait3A_113 = tpu.memref_slice %arg6[%dma_wait3A_110, %dma_wait3A_111, %dma_wait3A_112] : memref<3x8x4096xf32, #tpu.memory_space<vmem>> -> memref<1x8x4096xf32, #tpu.memory_space<vmem>>
        %dma_wait3A_114 = tpu.memref_squeeze %dma_wait3A_113 : memref<1x8x4096xf32, #tpu.memory_space<vmem>> -> memref<8x4096xf32, #tpu.memory_space<vmem>>
        %dma_wait3A_115 = arith.constant 0 : i32
        %dma_wait3A_116 = tpu.memref_slice %arg5[%add3A_97, %dma_wait3A_115] : memref<64x8xi32, #tpu.memory_space<vmem>> -> memref<1x8xi32, #tpu.memory_space<vmem>>
        %dma_wait3A_117 = tpu.memref_squeeze %dma_wait3A_116 : memref<1x8xi32, #tpu.memory_space<vmem>> -> memref<8xi32, #tpu.memory_space<vmem>>
        %dma_wait3A_118 = arith.constant 0 : i32
        %dma_wait3A_119 = arith.constant 0 : i32
        %dma_wait3A_120 = tpu.memref_slice %arg3[%dma_wait3A_118, %dma_wait3A_119] : memref<32000x4096xf32, #tpu.memory_space<hbm>> -> memref<32000x4096xf32, #tpu.memory_space<hbm>>
        tpu.wait_indirect_dma semaphore(%arg8 : memref<!tpu.dma_semaphore, #tpu.memory_space<semaphore_mem>>) src(%dma_wait3A_120 : memref<32000x4096xf32, #tpu.memory_space<hbm>>) dst(%dma_wait3A_114 : memref<8x4096xf32, #tpu.memory_space<vmem>>)
        %mul3A_121 = arith.constant 8 : i32
        %mul3A_122 = arith.muli %add3A_97, %mul3A_121 : i32
        %add3A_123 = arith.addi %mul3A_2, %mul3A_122 : i32
        %dma_start3A_124 = arith.constant 1 : i32
        %dma_start3A_125 = arith.constant 0 : i32
        %dma_start3A_126 = arith.constant 0 : i32
        %dma_start3A_127 = tpu.memref_slice %arg6[%dma_start3A_124, %dma_start3A_125, %dma_start3A_126] : memref<3x8x4096xf32, #tpu.memory_space<vmem>> -> memref<1x8x4096xf32, #tpu.memory_space<vmem>>
        %dma_start3A_128 = tpu.memref_squeeze %dma_start3A_127 : memref<1x8x4096xf32, #tpu.memory_space<vmem>> -> memref<8x4096xf32, #tpu.memory_space<vmem>>
        %dma_start3A_129 = arith.constant 0 : i32
        %dma_start3A_130 = tpu.memref_slice %arg4[%add3A_123, %dma_start3A_129] : memref<16384x4096xf32, #tpu.memory_space<hbm>> -> memref<8x4096xf32, #tpu.memory_space<hbm>>
        %dma_start3A_131 = arith.constant 0 : i32
        %dma_start3A_132 = tpu.memref_slice %arg4[%add3A_123, %dma_start3A_131] : memref<16384x4096xf32, #tpu.memory_space<hbm>> -> memref<8x4096xf32, #tpu.memory_space<hbm>>
        %dma_start3A_133 = arith.constant 0 : i32
        %dma_start3A_134 = arith.constant 0 : i32
        %dma_start3A_135 = tpu.memref_slice %arg6[%dma_start3A_124, %dma_start3A_133, %dma_start3A_134] : memref<3x8x4096xf32, #tpu.memory_space<vmem>> -> memref<1x8x4096xf32, #tpu.memory_space<vmem>>
        %dma_start3A_136 = tpu.memref_squeeze %dma_start3A_135 : memref<1x8x4096xf32, #tpu.memory_space<vmem>> -> memref<8x4096xf32, #tpu.memory_space<vmem>>
        tpu.enqueue_dma source(%dma_start3A_136 : memref<8x4096xf32, #tpu.memory_space<vmem>>) target(%dma_start3A_132 : memref<8x4096xf32, #tpu.memory_space<hbm>>) target_semaphore(%arg11 : memref<!tpu.dma_semaphore, #tpu.memory_space<semaphore_mem>>)
        %add3A_137 = arith.constant 3 : i32
        %add3A_138 = arith.addi %add3A_97, %add3A_137 : i32
        %lt3A_139 = arith.constant 64 : i32
        %lt3A_140 = arith.cmpi slt, %add3A_138, %lt3A_139 : i32
        %convert_element_type3A_141 = arith.extui %lt3A_140 : i1 to i32
        %cond3A_142 = arith.constant 0 : i32
        %cond3A_143 = arith.cmpi ne, %convert_element_type3A_141, %cond3A_142 : i32
        scf.if %cond3A_143 {
          %mul3A_144 = arith.constant 8 : i32
          %mul3A_145 = arith.muli %add3A_97, %mul3A_144 : i32
          %add3A_146 = arith.addi %mul3A_2, %mul3A_145 : i32
          %dma_wait3A_147 = arith.constant 1 : i32
          %dma_wait3A_148 = arith.constant 0 : i32
          %dma_wait3A_149 = arith.constant 0 : i32
          %dma_wait3A_150 = tpu.memref_slice %arg6[%dma_wait3A_147, %dma_wait3A_148, %dma_wait3A_149] : memref<3x8x4096xf32, #tpu.memory_space<vmem>> -> memref<1x8x4096xf32, #tpu.memory_space<vmem>>
          %dma_wait3A_151 = tpu.memref_squeeze %dma_wait3A_150 : memref<1x8x4096xf32, #tpu.memory_space<vmem>> -> memref<8x4096xf32, #tpu.memory_space<vmem>>
          %dma_wait3A_152 = arith.constant 0 : i32
          %dma_wait3A_153 = tpu.memref_slice %arg4[%add3A_146, %dma_wait3A_152] : memref<16384x4096xf32, #tpu.memory_space<hbm>> -> memref<8x4096xf32, #tpu.memory_space<hbm>>
          %dma_wait3A_154 = arith.constant 0 : i32
          %dma_wait3A_155 = tpu.memref_slice %arg4[%add3A_146, %dma_wait3A_154] : memref<16384x4096xf32, #tpu.memory_space<hbm>> -> memref<8x4096xf32, #tpu.memory_space<hbm>>
          %dma_wait3A_156 = arith.constant 0 : i32
          %dma_wait3A_157 = arith.constant 0 : i32
          %dma_wait3A_158 = tpu.memref_slice %arg6[%dma_wait3A_147, %dma_wait3A_156, %dma_wait3A_157] : memref<3x8x4096xf32, #tpu.memory_space<vmem>> -> memref<1x8x4096xf32, #tpu.memory_space<vmem>>
          %dma_wait3A_159 = tpu.memref_squeeze %dma_wait3A_158 : memref<1x8x4096xf32, #tpu.memory_space<vmem>> -> memref<8x4096xf32, #tpu.memory_space<vmem>>
          tpu.wait_dma2 semaphore(%arg11 : memref<!tpu.dma_semaphore, #tpu.memory_space<semaphore_mem>>) src(%dma_wait3A_159 : memref<8x4096xf32, #tpu.memory_space<vmem>>) dst(%dma_wait3A_155 : memref<8x4096xf32, #tpu.memory_space<hbm>>)
          %add3A_160 = arith.constant 3 : i32
          %add3A_161 = arith.addi %add3A_97, %add3A_160 : i32
          %dma_start3A_162 = arith.constant 1 : i32
          %dma_start3A_163 = arith.constant 0 : i32
          %dma_start3A_164 = arith.constant 0 : i32
          %dma_start3A_165 = tpu.memref_slice %arg6[%dma_start3A_162, %dma_start3A_163, %dma_start3A_164] : memref<3x8x4096xf32, #tpu.memory_space<vmem>> -> memref<1x8x4096xf32, #tpu.memory_space<vmem>>
          %dma_start3A_166 = tpu.memref_squeeze %dma_start3A_165 : memref<1x8x4096xf32, #tpu.memory_space<vmem>> -> memref<8x4096xf32, #tpu.memory_space<vmem>>
          %dma_start3A_167 = arith.constant 0 : i32
          %dma_start3A_168 = tpu.memref_slice %arg5[%add3A_161, %dma_start3A_167] : memref<64x8xi32, #tpu.memory_space<vmem>> -> memref<1x8xi32, #tpu.memory_space<vmem>>
          %dma_start3A_169 = tpu.memref_squeeze %dma_start3A_168 : memref<1x8xi32, #tpu.memory_space<vmem>> -> memref<8xi32, #tpu.memory_space<vmem>>
          %dma_start3A_170 = arith.constant 0 : i32
          %dma_start3A_171 = arith.constant 0 : i32
          %dma_start3A_172 = tpu.memref_slice %arg3[%dma_start3A_170, %dma_start3A_171] : memref<32000x4096xf32, #tpu.memory_space<hbm>> -> memref<32000x4096xf32, #tpu.memory_space<hbm>>
          tpu.enqueue_indirect_dma source(%dma_start3A_172 : memref<32000x4096xf32, #tpu.memory_space<hbm>>) target(%dma_start3A_166 : memref<8x4096xf32, #tpu.memory_space<vmem>>) offsets(%dma_start3A_169 : memref<8xi32, #tpu.memory_space<vmem>>) semaphore(%arg8 : memref<!tpu.dma_semaphore, #tpu.memory_space<semaphore_mem>>)
        } else {
        }
      } else {
      }
      %add3A_103 = arith.constant 2 : i32
      %add3A_104 = arith.addi %mul3A_91, %add3A_103 : i32
      %lt3A_105 = arith.constant 64 : i32
      %lt3A_106 = arith.cmpi slt, %add3A_104, %lt3A_105 : i32
      %convert_element_type3A_107 = arith.extui %lt3A_106 : i1 to i32
      %cond3A_108 = arith.constant 0 : i32
      %cond3A_109 = arith.cmpi ne, %convert_element_type3A_107, %cond3A_108 : i32
      scf.if %cond3A_109 {
        %dma_wait3A_110 = arith.constant 2 : i32
        %dma_wait3A_111 = arith.constant 0 : i32
        %dma_wait3A_112 = arith.constant 0 : i32
        %dma_wait3A_113 = tpu.memref_slice %arg6[%dma_wait3A_110, %dma_wait3A_111, %dma_wait3A_112] : memref<3x8x4096xf32, #tpu.memory_space<vmem>> -> memref<1x8x4096xf32, #tpu.memory_space<vmem>>
        %dma_wait3A_114 = tpu.memref_squeeze %dma_wait3A_113 : memref<1x8x4096xf32, #tpu.memory_space<vmem>> -> memref<8x4096xf32, #tpu.memory_space<vmem>>
        %dma_wait3A_115 = arith.constant 0 : i32
        %dma_wait3A_116 = tpu.memref_slice %arg5[%add3A_104, %dma_wait3A_115] : memref<64x8xi32, #tpu.memory_space<vmem>> -> memref<1x8xi32, #tpu.memory_space<vmem>>
        %dma_wait3A_117 = tpu.memref_squeeze %dma_wait3A_116 : memref<1x8xi32, #tpu.memory_space<vmem>> -> memref<8xi32, #tpu.memory_space<vmem>>
        %dma_wait3A_118 = arith.constant 0 : i32
        %dma_wait3A_119 = arith.constant 0 : i32
        %dma_wait3A_120 = tpu.memref_slice %arg3[%dma_wait3A_118, %dma_wait3A_119] : memref<32000x4096xf32, #tpu.memory_space<hbm>> -> memref<32000x4096xf32, #tpu.memory_space<hbm>>
        tpu.wait_indirect_dma semaphore(%arg9 : memref<!tpu.dma_semaphore, #tpu.memory_space<semaphore_mem>>) src(%dma_wait3A_120 : memref<32000x4096xf32, #tpu.memory_space<hbm>>) dst(%dma_wait3A_114 : memref<8x4096xf32, #tpu.memory_space<vmem>>)
        %mul3A_121 = arith.constant 8 : i32
        %mul3A_122 = arith.muli %add3A_104, %mul3A_121 : i32
        %add3A_123 = arith.addi %mul3A_2, %mul3A_122 : i32
        %dma_start3A_124 = arith.constant 2 : i32
        %dma_start3A_125 = arith.constant 0 : i32
        %dma_start3A_126 = arith.constant 0 : i32
        %dma_start3A_127 = tpu.memref_slice %arg6[%dma_start3A_124, %dma_start3A_125, %dma_start3A_126] : memref<3x8x4096xf32, #tpu.memory_space<vmem>> -> memref<1x8x4096xf32, #tpu.memory_space<vmem>>
        %dma_start3A_128 = tpu.memref_squeeze %dma_start3A_127 : memref<1x8x4096xf32, #tpu.memory_space<vmem>> -> memref<8x4096xf32, #tpu.memory_space<vmem>>
        %dma_start3A_129 = arith.constant 0 : i32
        %dma_start3A_130 = tpu.memref_slice %arg4[%add3A_123, %dma_start3A_129] : memref<16384x4096xf32, #tpu.memory_space<hbm>> -> memref<8x4096xf32, #tpu.memory_space<hbm>>
        %dma_start3A_131 = arith.constant 0 : i32
        %dma_start3A_132 = tpu.memref_slice %arg4[%add3A_123, %dma_start3A_131] : memref<16384x4096xf32, #tpu.memory_space<hbm>> -> memref<8x4096xf32, #tpu.memory_space<hbm>>
        %dma_start3A_133 = arith.constant 0 : i32
        %dma_start3A_134 = arith.constant 0 : i32
        %dma_start3A_135 = tpu.memref_slice %arg6[%dma_start3A_124, %dma_start3A_133, %dma_start3A_134] : memref<3x8x4096xf32, #tpu.memory_space<vmem>> -> memref<1x8x4096xf32, #tpu.memory_space<vmem>>
        %dma_start3A_136 = tpu.memref_squeeze %dma_start3A_135 : memref<1x8x4096xf32, #tpu.memory_space<vmem>> -> memref<8x4096xf32, #tpu.memory_space<vmem>>
        tpu.enqueue_dma source(%dma_start3A_136 : memref<8x4096xf32, #tpu.memory_space<vmem>>) target(%dma_start3A_132 : memref<8x4096xf32, #tpu.memory_space<hbm>>) target_semaphore(%arg12 : memref<!tpu.dma_semaphore, #tpu.memory_space<semaphore_mem>>)
        %add3A_137 = arith.constant 3 : i32
        %add3A_138 = arith.addi %add3A_104, %add3A_137 : i32
        %lt3A_139 = arith.constant 64 : i32
        %lt3A_140 = arith.cmpi slt, %add3A_138, %lt3A_139 : i32
        %convert_element_type3A_141 = arith.extui %lt3A_140 : i1 to i32
        %cond3A_142 = arith.constant 0 : i32
        %cond3A_143 = arith.cmpi ne, %convert_element_type3A_141, %cond3A_142 : i32
        scf.if %cond3A_143 {
          %mul3A_144 = arith.constant 8 : i32
          %mul3A_145 = arith.muli %add3A_104, %mul3A_144 : i32
          %add3A_146 = arith.addi %mul3A_2, %mul3A_145 : i32
          %dma_wait3A_147 = arith.constant 2 : i32
          %dma_wait3A_148 = arith.constant 0 : i32
          %dma_wait3A_149 = arith.constant 0 : i32
          %dma_wait3A_150 = tpu.memref_slice %arg6[%dma_wait3A_147, %dma_wait3A_148, %dma_wait3A_149] : memref<3x8x4096xf32, #tpu.memory_space<vmem>> -> memref<1x8x4096xf32, #tpu.memory_space<vmem>>
          %dma_wait3A_151 = tpu.memref_squeeze %dma_wait3A_150 : memref<1x8x4096xf32, #tpu.memory_space<vmem>> -> memref<8x4096xf32, #tpu.memory_space<vmem>>
          %dma_wait3A_152 = arith.constant 0 : i32
          %dma_wait3A_153 = tpu.memref_slice %arg4[%add3A_146, %dma_wait3A_152] : memref<16384x4096xf32, #tpu.memory_space<hbm>> -> memref<8x4096xf32, #tpu.memory_space<hbm>>
          %dma_wait3A_154 = arith.constant 0 : i32
          %dma_wait3A_155 = tpu.memref_slice %arg4[%add3A_146, %dma_wait3A_154] : memref<16384x4096xf32, #tpu.memory_space<hbm>> -> memref<8x4096xf32, #tpu.memory_space<hbm>>
          %dma_wait3A_156 = arith.constant 0 : i32
          %dma_wait3A_157 = arith.constant 0 : i32
          %dma_wait3A_158 = tpu.memref_slice %arg6[%dma_wait3A_147, %dma_wait3A_156, %dma_wait3A_157] : memref<3x8x4096xf32, #tpu.memory_space<vmem>> -> memref<1x8x4096xf32, #tpu.memory_space<vmem>>
          %dma_wait3A_159 = tpu.memref_squeeze %dma_wait3A_158 : memref<1x8x4096xf32, #tpu.memory_space<vmem>> -> memref<8x4096xf32, #tpu.memory_space<vmem>>
          tpu.wait_dma2 semaphore(%arg12 : memref<!tpu.dma_semaphore, #tpu.memory_space<semaphore_mem>>) src(%dma_wait3A_159 : memref<8x4096xf32, #tpu.memory_space<vmem>>) dst(%dma_wait3A_155 : memref<8x4096xf32, #tpu.memory_space<hbm>>)
          %add3A_160 = arith.constant 3 : i32
          %add3A_161 = arith.addi %add3A_104, %add3A_160 : i32
          %dma_start3A_162 = arith.constant 2 : i32
          %dma_start3A_163 = arith.constant 0 : i32
          %dma_start3A_164 = arith.constant 0 : i32
          %dma_start3A_165 = tpu.memref_slice %arg6[%dma_start3A_162, %dma_start3A_163, %dma_start3A_164] : memref<3x8x4096xf32, #tpu.memory_space<vmem>> -> memref<1x8x4096xf32, #tpu.memory_space<vmem>>
          %dma_start3A_166 = tpu.memref_squeeze %dma_start3A_165 : memref<1x8x4096xf32, #tpu.memory_space<vmem>> -> memref<8x4096xf32, #tpu.memory_space<vmem>>
          %dma_start3A_167 = arith.constant 0 : i32
          %dma_start3A_168 = tpu.memref_slice %arg5[%add3A_161, %dma_start3A_167] : memref<64x8xi32, #tpu.memory_space<vmem>> -> memref<1x8xi32, #tpu.memory_space<vmem>>
          %dma_start3A_169 = tpu.memref_squeeze %dma_start3A_168 : memref<1x8xi32, #tpu.memory_space<vmem>> -> memref<8xi32, #tpu.memory_space<vmem>>
          %dma_start3A_170 = arith.constant 0 : i32
          %dma_start3A_171 = arith.constant 0 : i32
          %dma_start3A_172 = tpu.memref_slice %arg3[%dma_start3A_170, %dma_start3A_171] : memref<32000x4096xf32, #tpu.memory_space<hbm>> -> memref<32000x4096xf32, #tpu.memory_space<hbm>>
          tpu.enqueue_indirect_dma source(%dma_start3A_172 : memref<32000x4096xf32, #tpu.memory_space<hbm>>) target(%dma_start3A_166 : memref<8x4096xf32, #tpu.memory_space<vmem>>) offsets(%dma_start3A_169 : memref<8xi32, #tpu.memory_space<vmem>>) semaphore(%arg9 : memref<!tpu.dma_semaphore, #tpu.memory_space<semaphore_mem>>)
        } else {
        }
      } else {
      }
    }
    %scan3A_44 = arith.constant 22 : i32
    %add3A_45 = arith.constant 488 : i32
    %add3A_46 = arith.addi %mul3A_2, %add3A_45 : i32
    %dma_wait3A = arith.constant 1 : i32
    %dma_wait3A_47 = arith.constant 0 : i32
    %dma_wait3A_48 = arith.constant 0 : i32
    %dma_wait3A_49 = tpu.memref_slice %arg6[%dma_wait3A, %dma_wait3A_47, %dma_wait3A_48] : memref<3x8x4096xf32, #tpu.memory_space<vmem>> -> memref<1x8x4096xf32, #tpu.memory_space<vmem>>
    %dma_wait3A_50 = tpu.memref_squeeze %dma_wait3A_49 : memref<1x8x4096xf32, #tpu.memory_space<vmem>> -> memref<8x4096xf32, #tpu.memory_space<vmem>>
    %dma_wait3A_51 = arith.constant 0 : i32
    %dma_wait3A_52 = tpu.memref_slice %arg4[%add3A_46, %dma_wait3A_51] : memref<16384x4096xf32, #tpu.memory_space<hbm>> -> memref<8x4096xf32, #tpu.memory_space<hbm>>
    %dma_wait3A_53 = arith.constant 0 : i32
    %dma_wait3A_54 = tpu.memref_slice %arg4[%add3A_46, %dma_wait3A_53] : memref<16384x4096xf32, #tpu.memory_space<hbm>> -> memref<8x4096xf32, #tpu.memory_space<hbm>>
    %dma_wait3A_55 = arith.constant 0 : i32
    %dma_wait3A_56 = arith.constant 0 : i32
    %dma_wait3A_57 = tpu.memref_slice %arg6[%dma_wait3A, %dma_wait3A_55, %dma_wait3A_56] : memref<3x8x4096xf32, #tpu.memory_space<vmem>> -> memref<1x8x4096xf32, #tpu.memory_space<vmem>>
    %dma_wait3A_58 = tpu.memref_squeeze %dma_wait3A_57 : memref<1x8x4096xf32, #tpu.memory_space<vmem>> -> memref<8x4096xf32, #tpu.memory_space<vmem>>
    tpu.wait_dma2 semaphore(%arg11 : memref<!tpu.dma_semaphore, #tpu.memory_space<semaphore_mem>>) src(%dma_wait3A_58 : memref<8x4096xf32, #tpu.memory_space<vmem>>) dst(%dma_wait3A_54 : memref<8x4096xf32, #tpu.memory_space<hbm>>)
    %add3A_59 = arith.constant 496 : i32
    %add3A_60 = arith.addi %mul3A_2, %add3A_59 : i32
    %dma_wait3A_61 = arith.constant 2 : i32
    %dma_wait3A_62 = arith.constant 0 : i32
    %dma_wait3A_63 = arith.constant 0 : i32
    %dma_wait3A_64 = tpu.memref_slice %arg6[%dma_wait3A_61, %dma_wait3A_62, %dma_wait3A_63] : memref<3x8x4096xf32, #tpu.memory_space<vmem>> -> memref<1x8x4096xf32, #tpu.memory_space<vmem>>
    %dma_wait3A_65 = tpu.memref_squeeze %dma_wait3A_64 : memref<1x8x4096xf32, #tpu.memory_space<vmem>> -> memref<8x4096xf32, #tpu.memory_space<vmem>>
    %dma_wait3A_66 = arith.constant 0 : i32
    %dma_wait3A_67 = tpu.memref_slice %arg4[%add3A_60, %dma_wait3A_66] : memref<16384x4096xf32, #tpu.memory_space<hbm>> -> memref<8x4096xf32, #tpu.memory_space<hbm>>
    %dma_wait3A_68 = arith.constant 0 : i32
    %dma_wait3A_69 = tpu.memref_slice %arg4[%add3A_60, %dma_wait3A_68] : memref<16384x4096xf32, #tpu.memory_space<hbm>> -> memref<8x4096xf32, #tpu.memory_space<hbm>>
    %dma_wait3A_70 = arith.constant 0 : i32
    %dma_wait3A_71 = arith.constant 0 : i32
    %dma_wait3A_72 = tpu.memref_slice %arg6[%dma_wait3A_61, %dma_wait3A_70, %dma_wait3A_71] : memref<3x8x4096xf32, #tpu.memory_space<vmem>> -> memref<1x8x4096xf32, #tpu.memory_space<vmem>>
    %dma_wait3A_73 = tpu.memref_squeeze %dma_wait3A_72 : memref<1x8x4096xf32, #tpu.memory_space<vmem>> -> memref<8x4096xf32, #tpu.memory_space<vmem>>
    tpu.wait_dma2 semaphore(%arg12 : memref<!tpu.dma_semaphore, #tpu.memory_space<semaphore_mem>>) src(%dma_wait3A_73 : memref<8x4096xf32, #tpu.memory_space<vmem>>) dst(%dma_wait3A_69 : memref<8x4096xf32, #tpu.memory_space<hbm>>)
    %add3A_74 = arith.constant 504 : i32
    %add3A_75 = arith.addi %mul3A_2, %add3A_74 : i32
    %dma_wait3A_76 = arith.constant 0 : i32
    %dma_wait3A_77 = arith.constant 0 : i32
    %dma_wait3A_78 = arith.constant 0 : i32
    %dma_wait3A_79 = tpu.memref_slice %arg6[%dma_wait3A_76, %dma_wait3A_77, %dma_wait3A_78] : memref<3x8x4096xf32, #tpu.memory_space<vmem>> -> memref<1x8x4096xf32, #tpu.memory_space<vmem>>
    %dma_wait3A_80 = tpu.memref_squeeze %dma_wait3A_79 : memref<1x8x4096xf32, #tpu.memory_space<vmem>> -> memref<8x4096xf32, #tpu.memory_space<vmem>>
    %dma_wait3A_81 = arith.constant 0 : i32
    %dma_wait3A_82 = tpu.memref_slice %arg4[%add3A_75, %dma_wait3A_81] : memref<16384x4096xf32, #tpu.memory_space<hbm>> -> memref<8x4096xf32, #tpu.memory_space<hbm>>
    %dma_wait3A_83 = arith.constant 0 : i32
    %dma_wait3A_84 = tpu.memref_slice %arg4[%add3A_75, %dma_wait3A_83] : memref<16384x4096xf32, #tpu.memory_space<hbm>> -> memref<8x4096xf32, #tpu.memory_space<hbm>>
    %dma_wait3A_85 = arith.constant 0 : i32
    %dma_wait3A_86 = arith.constant 0 : i32
    %dma_wait3A_87 = tpu.memref_slice %arg6[%dma_wait3A_76, %dma_wait3A_85, %dma_wait3A_86] : memref<3x8x4096xf32, #tpu.memory_space<vmem>> -> memref<1x8x4096xf32, #tpu.memory_space<vmem>>
    %dma_wait3A_88 = tpu.memref_squeeze %dma_wait3A_87 : memref<1x8x4096xf32, #tpu.memory_space<vmem>> -> memref<8x4096xf32, #tpu.memory_space<vmem>>
    tpu.wait_dma2 semaphore(%arg10 : memref<!tpu.dma_semaphore, #tpu.memory_space<semaphore_mem>>) src(%dma_wait3A_88 : memref<8x4096xf32, #tpu.memory_space<vmem>>) dst(%dma_wait3A_84 : memref<8x4096xf32, #tpu.memory_space<hbm>>)
    return
  }
}

</mosaic_0001>

<sc_bundles>
// kernel: kernel.3.cloned.1.call-start
scs
__scs_entry_jumppad:
0x0: {  	(pc) =	sbr.rel $0x88, $3  }
0x1: {  	(tag) =	ssettag $0x0;
	lr =	simm.s32 $0x1  }
0x2: {  	[smem:$0x3F9F] =	sst lr;
	_ =	strace $0xD0000000  }
0x3: {  	_ = 	snop  }
0x4: {  	_ = 	snop  }
0x5: {  	_ = 	snop  }
0x6: {  	_ = 	snop  }
0x7: {  	_ = 	snop  }
__scs_overlays_trampoline_lowered:
0x8: {  	[smem:$0x3FAE] =	sst s0  }
0x9: {  	[smem:$0x3FAF] =	sst s1  }
0xa: {  	[smem:$0x3FB0] =	sst s2  }
0xb: {  	[smem:$0x3FB1] =	sst s3  }
0xc: {  	[smem:$0x3FB2] =	sst s4  }
0xd: {  	[smem:$0x3FB3] =	sst s5  }
0xe: {  	[smem:$0x3FB4] =	sst s6  }
0xf: {  	[smem:$0x3FB5] =	sst s7  }
0x10: {  	[smem:$0x3FB6] =	sst s8  }
0x11: {  	[smem:$0x3FB7] =	sst s9;
	s0 =	simm.s32 @!p0 $0x0  }
0x12: {  	s1 =	sld [smem:$0x3F9D];
	s0 =	simm.s32 @p0 $0x1  }
0x13: {  	[smem:$0x3FB8] =	sst s0;
	s0 =	simm.s32 @!p1 $0x0  }
0x14: {  	s2 =	sld [smem:$0x3F9C];
	s0 =	simm.s32 @p1 $0x1  }
0x15: {  	[smem:$0x3FB9] =	sst s0;
	s0 =	simm.s32 @!p2 $0x0  }
0x16: {  	s3 =	sld [smem:$0x3FDB];
	s0 =	simm.s32 @p2 $0x1  }
0x17: {  	s4 =	simm.s32 $0x1BF5;
	[smem:$0x3FBB] =	sst s0  }
0x18: {  	s0 =	sld [smem:$0x3F9E];
	_ =	swait.ge [sflag:s4], $0x0  }
0x19: {  	s7 =	sld [smem:$0x3F9F]  }
0x1a: {  	s8 =	sadd.s32 $0xFFFFE003, lr  }
0x1b: {  	s9 =	sadd.s32 $0xFFFFFEF7, lr;
	s5 =	simm.s32 $0xFFFFFFFF;
	p2 =	slt.u32 s8, $0xFFFFF086  }
0x1c: {  	p1 =	slt.u32 s9, $0xF7A;
	s5 =	simm.s32 @!p2 $0x0  }
0x1d: {  	s5 =	simm.s32 @p1 $0x1;
	p0 =	seq.s32 s7, s2  }
0x1e: {  	s7 =	smul.u32 @!p0 $0xF7A, s2;
	p2 =	seq.s32 @!p0 s5, $0x0  }
0x1f: {  	s9 =	smul.u32 $0xF7A, s1;
	s8 =	simm.s32 @!p0 $0x1BF5;
	p2 =	por !p2, p0  }
0x20: {  	[sflag:s8] =	ssyncset.s32 @!p0 $0xFFFFF086;
	s6 =	sadd.s32 @!p0 s3, s7;
	s7 =	simm.s32 @!p0 $0x108  }
0x21: {  	s3 =	sadd.s32 s3, s9;
	s6 =	sadd.s32 @!p0 $0x88, s6;
	s7 =	simm.s32 @p2 $0x1082  }
0x22: {  	[simem:s7], [sflag:s8] =	dma.local @!p0 [hbm:s6], $0xF7A  }
0x23: {  	s9 =	sor.u32 $0xD0000000, s2;
	s6 =	simm.s32 $0x108;
	_ =	swait.ge @!p0 [sflag:s8], $0x0  }
0x24: {  	s3 =	sadd.s32 $0x88, s3;
	s6 =	simm.s32 @!p1 $0x1082;
	[sflag:s4] =	ssyncset.s32 $0xFFFFF086  }
0x25: {  	[simem:s6], [sflag:s4] =	dma.local [hbm:s3], $0xF7A  }
0x26: {  	[smem:$0x3F9F] =	sst s1;
	(tag) =	ssettag s2;
	_ =	strace s9  }
0x27: {  	s1 =	sld [smem:$0x3FAF]  }
0x28: {  	s2 =	sld [smem:$0x3FB0]  }
0x29: {  	s4 =	sld [smem:$0x3FB2]  }
0x2a: {  	p0 =	seq.s32 s5, $0x0;
	s5 =	sld [smem:$0x3FB3]  }
0x2b: {  	s6 =	sld [smem:$0x3FB4]  }
0x2c: {  	s7 =	sld [smem:$0x3FB5]  }
0x2d: {  	s3 =	simm.s32 $0x108;
	s8 =	sld [smem:$0x3FB6]  }
0x2e: {  	s3 =	simm.s32 @!p0 $0x1082;
	s9 =	sld [smem:$0x3FB7]  }
0x2f: {  	lr =	sadd.s32 s0, s3;
	s0 =	sld [smem:$0x3FAE]  }
0x30: {  	s3 =	sld [smem:$0x3FB1]  }
0x31: {  	[smem:$0x3FBA] =	sst s10  }
0x32: {  	s10 =	sld [smem:$0x3FB8];
	_ =	sdelay $0x3  }
0x33: {  	p0 =	seq.s32 s10, $0x1;
	s10 =	sld [smem:$0x3FBA];
	_ =	sdelay $0x3  }
0x34: {  	[smem:$0x3FBA] =	sst s10  }
0x35: {  	s10 =	sld [smem:$0x3FB9];
	_ =	sdelay $0x3  }
0x36: {  	p1 =	seq.s32 s10, $0x1;
	s10 =	sld [smem:$0x3FBA];
	_ =	sdelay $0x3  }
0x37: {  	[smem:$0x3FBA] =	sst s10  }
0x38: {  	s10 =	sld [smem:$0x3FBB]  }
0x39: {  	_ = 	snop;
	(pc) =	sbr.ind lr, $3  }
0x3a: {  	_ = 	snop  }
0x3b: {  	_ = 	snop  }
0x3c: {  	p2 =	seq.s32 s10, $0x1;
	s10 =	sld [smem:$0x3FBA]  }
0x3d: {  	_ =	shalt  }
0x3e: {  	_ =	shalt  }
0x3f: {  	_ =	shalt  }
0x40: {  	_ =	shalt  }
0x41: {  	_ =	shalt  }
0x42: {  	_ =	shalt  }
0x43: {  	_ =	shalt  }
0x44: {  	_ =	shalt  }
0x45: {  	_ =	shalt  }
0x46: {  	_ =	shalt  }
0x47: {  	_ =	shalt  }
0x48: {  	_ =	shalt  }
0x49: {  	_ =	shalt  }
0x4a: {  	_ =	shalt  }
0x4b: {  	_ =	shalt  }
0x4c: {  	_ =	shalt  }
0x4d: {  	_ =	shalt  }
0x4e: {  	_ =	shalt  }
0x4f: {  	_ =	shalt  }
0x50: {  	_ =	shalt  }
0x51: {  	_ =	shalt  }
0x52: {  	_ =	shalt  }
0x53: {  	_ =	shalt  }
0x54: {  	_ =	shalt  }
0x55: {  	_ =	shalt  }
0x56: {  	_ =	shalt  }
0x57: {  	_ =	shalt  }
0x58: {  	_ =	shalt  }
0x59: {  	_ =	shalt  }
0x5a: {  	_ =	shalt  }
0x5b: {  	_ =	shalt  }
0x5c: {  	_ =	shalt  }
0x5d: {  	_ =	shalt  }
0x5e: {  	_ =	shalt  }
0x5f: {  	_ =	shalt  }
0x60: {  	_ =	shalt  }
0x61: {  	_ =	shalt  }
0x62: {  	_ =	shalt  }
0x63: {  	_ =	shalt  }
0x64: {  	_ =	shalt  }
0x65: {  	_ =	shalt  }
0x66: {  	_ =	shalt  }
0x67: {  	_ =	shalt  }
0x68: {  	_ =	shalt  }
0x69: {  	_ =	shalt  }
0x6a: {  	_ =	shalt  }
0x6b: {  	_ =	shalt  }
0x6c: {  	_ =	shalt  }
0x6d: {  	_ =	shalt  }
0x6e: {  	_ =	shalt  }
0x6f: {  	_ =	shalt  }
0x70: {  	_ =	shalt  }
0x71: {  	_ =	shalt  }
0x72: {  	_ =	shalt  }
0x73: {  	_ =	shalt  }
0x74: {  	_ =	shalt  }
0x75: {  	_ =	shalt  }
0x76: {  	_ =	shalt  }
0x77: {  	_ =	shalt  }
0x78: {  	_ =	shalt  }
0x79: {  	_ =	shalt  }
0x7a: {  	_ =	shalt  }
0x7b: {  	_ =	shalt  }
0x7c: {  	_ =	shalt  }
0x7d: {  	_ =	shalt  }
0x7e: {  	_ =	shalt  }
0x7f: {  	_ =	shalt  }
0x80: {  	_ =	shalt  }
0x81: {  	_ =	shalt  }
0x82: {  	_ =	shalt  }
0x83: {  	_ =	shalt  }
0x84: {  	_ =	shalt  }
0x85: {  	_ =	shalt  }
0x86: {  	_ =	shalt  }
0x87: {  	_ =	shalt  }
.Lfunc_end0:
.L_simem_size_0:
called_computation_lowered:
.L_overlay_start_0:
0x88: {  	s2 =	sld [smem:$0x3FD9]  }
0x89: {  	s3 =	sld [smem:$0x3FFE];
	_ =	sdelay $0x1  }
0x8a: {  	s1 =	srdreg.scid  }
0x8b: {  	s0 =	sand.u32 $0x1, s1  }
0x8c: {  	s17 =	sshll.u32 s0, $0xA;
	s2 =	sadd.s32 s3, s2  }
0x8d: {  	s2 =	sadd.s32 s2, s17  }
0x8e: {  	[smem:$0x3FC6] =	sst s2  }
0x8f: {  	_ = 	snop  }
0x90: {  	s2 =	sld [smem:$0x3FC8]  }
0x91: {  	s18 =	sld [smem:$0x3FD0];
	(tm) =	ssettm $0x1  }
0x92: {  	s4 =	sld [smem:$0x3FFB];
	_ =	sdelay $0x3  }
0x93: {  	_ =	strace s4  }
0x94: {  	s4 =	sld [smem:$0x3FFC];
	_ =	sdelay $0x3  }
0x95: {  	_ =	strace s4  }
0x96: {  	s4 =	sld [smem:$0x3FFD];
	_ =	sdelay $0x3  }
0x97: {  	_ =	strace s4  }
0x98: {  	_ =	strace $0x8FFFFFFF  }
0x99: {  	s19 =	sld [smem:$0x3FDB];
	_ =	sdelay $0x1  }
0x9a: {  	s5 =	simm.s32 $_scs_section_size  }
0x9b: {  	s6 =	simm.s32 $_size__tile_overlayer_lowered;
	s7 =	simm.s32 $_tile_overlayer_lowered  }
0x9c: {  	s22 =	simm.s32 $0x1BFF;
	s21 =	sshll.u32 s7, $0x1;
	s4 =	sadd.s32 s5, s19  }
0x9d: {  	s8 =	simm.s32 $0x0;
	s20 =	sshll.u32 s6, $0x1;
	s6 =	sadd.s32 s21, s4  }
0x9e: {  	[timem:s8], [sflag:s22] =	dma.local [hbm:s6], s20  }
0x9f: {  	_ =	swait.ge [sflag:s22], s20  }
0xa0: {  	s5 =	ssub.s32 $0x0, s20;
	[sflag:s22] =	ssyncset.done $0x0  }
0xa1: {  	[sflag:s22] =	ssyncadd.s32 s5;
	_ =	sdelay $0x1  }
0xa2: {  	s23 =	simm.s32 $0x1B8B  }
0xa3: {  	_ =	swait.ge [sflag:s23], $0x1  }
0xa4: {  	[sflag:s23] =	ssyncset.done $0x0  }
0xa5: {  	s25 =	simm.s32 $0x1B8E;
	s24 =	sld [smem:$0x3FFE];
	[sflag:s23] =	ssyncadd.s32 $0xFFFFFFFF  }
0xa6: {  	s26 =	simm.s32 $execute0_lowered;
	[smem:$0x3FD2] =	sst s25  }
0xa7: {  	s6 =	sshll.u32 s26, $0x1;
	_ =	strace $0x80000046;
	[dreg:$0x1] =	wrdreg $0xFFFFFFFF  }
0xa8: {  	s28 =	simm.s32 $_size_execute0_lowered;
	s4 =	sadd.s32 s4, s6;
	[dreg:$0x0] =	wrdreg $0x0  }
0xa9: {  	s6 =	sshll.u32 s28, $0x1;
	[dreg:$0x2] =	wrdreg s4  }
0xaa: {  	[dreg:$0x3] =	wrdreg s6  }
0xab: {  	[dreg:$0x4] =	wrdreg $0xC0  }
0xac: {  	_ =	task [dreg:s8], $0x5FFFF  }
0xad: {  	[dreg:$0x1] =	wrdreg $0xFFFFFFFF  }
0xae: {  	[dreg:$0x0] =	wrdreg $0x60  }
0xaf: {  	[dreg:$0x2] =	wrdreg s24  }
0xb0: {  	[dreg:$0x3] =	wrdreg s2  }
0xb1: {  	[dreg:$0x4] =	wrdreg s18  }
0xb2: {  	[dreg:$0x5] =	wrdreg $0x9  }
0xb3: {  	_ =	task.clear_ibuf [dreg:s8], $0x6FFFF;
	_ =	strace $0x90000046  }
0xb4: {  	s29 =	simm.s32 $0x9;
	_ =	strace $0x80000048  }
0xb5: {  	_ =	swait.ge [sflag:s29], $0x1  }
0xb6: {  	[sflag:s29] =	ssyncadd.s32 $0xFFFFFFFF  }
0xb7: {  	_ =	strace $0x90000048  }
0xb8: {  	_ =	sfence  }
0xb9: {  	s30 =	sld [smem:$0x0];
	_ =	sdelay $0x2  }
0xba: {  	s31 =	sshll.u32 s1, $0xD;
	s1 =	sshrl.u32 s1, $0x2  }
0xbb: {  	s3 =	sand.u32 $0x4000, s31;
	s1 =	sadd.s32 s1, s30  }
0xbc: {  	s0 =	sor.u32 s3, s0;
	s1 =	sshll.u32 s1, $0x11  }
0xbd: {  	s0 =	sor.u32 s1, s0  }
0xbe: {  	s0 =	sadd.s32 $0x8F2B, s0  }
0xbf: {  	[sflag:s0] =	ssyncadd.remote.s32 $0x1  }
0xc0: {  	_ =	sfence.sel $0xFFFF  }
0xc1: {  	[dreg:$0x0] =	wrdreg $0xFFFFFFFF;
	(pc) =	sbr.abs _section_cstart, $3  }
0xc2: {  	[dreg:$0x1] =	wrdreg $0xFFFFFFFF  }
0xc3: {  	_ =	task.clear_ibuf [dreg:s8], $0x2FFFF;
	_ =	strace $0x9FFFFFFF  }
0xc4: {  	(tm) =	ssettm $0x7FFFFFFF  }
0xc5: {  	_ =	shalt  }
tec
execute0_lowered:
.L_overlay_start_1:
0x0: {  	(tag) =	ssettag $0x1  }
0x1: {  	s0 =	rddreg [dreg:$0x0]  }
0x2: {  	s31 =	rddreg [dreg:$0x1]  }
0x3: {  	s1 =	rddreg [dreg:$0x2]  }
0x4: {  	s3 =	srdreg.scid;
	s21 =	stileid.u32  }
0x5: {  	s23 =	simm.s32 $0x2000;
	s2 =	simm.s32 $0x12000;
	s30 =	simm.s32 $0x1  }
0x6: {  	s29 =	simm.s32 $0xA000;
	s4 =	sand.u32 $0x1, s3;
	s3 =	simm.s32 $0x0  }
0x7: {  	s5 =	sshll.u32 s21, $0xB;
	s7 =	sadd.s32 $0x300, s31;
	s8 =	sadd.s32 $0x400, s31  }
0x8: {  	s9 =	sadd.s32 $0x500, s31;
	s10 =	sadd.s32 $0x600, s31;
	s11 =	sadd.s32 $0x700, s31  }
0x9: {  	s12 =	sadd.s32 $0x800, s31;
	s13 =	sadd.s32 $0x900, s31;
	s14 =	sadd.s32 $0xA00, s31  }
0xa: {  	s15 =	sadd.s32 $0xB00, s31;
	s16 =	sadd.s32 $0xC00, s31;
	s17 =	sadd.s32 $0xD00, s31  }
0xb: {  	s18 =	sadd.s32 $0xE00, s31;
	s19 =	sadd.s32 $0xF00, s31;
	s26 =	sshll.u32 s21, $0x13  }
0xc: {  	s6 =	sshll.u32 s4, $0xA;
	[smem:$0x7FF] =	sst s3;
	s24 =	ssub.s32 $0x2, s4  }
0xd: {  	s28 =	sshll.u32 s4, $0x12;
	s4 =	simm.s32 $0x2;
	s5 =	sor.u32 s6, s5  }
0xe: {  	_ =	strace $0x80000047;
	s25 =	sshrl.u32 s24, $0x1;
	s6 =	sadd.s32 $0x200, s31  }
.Ltmp0:
0xf: {  	s0 =	sadd.s32 s5, s0;
	s20 =	ssub.s32 s24, s25;
	(pc) =	sbr.rel .LBB2_1-.Ltmp0, $4  }
0x10: {  	s5 =	sadd.s32 $0x100, s31;
	s24 =	simm.s32 $0xA000;
	s0 =	sadd.s32 $0x400, s0  }
0x11: {  	v0 =	vlaneseq.u32;
	s25 =	simm.s32 $0x0;
	s20 =	smax.u32 s20, $0x1;
	[dreg:$0x4] =	wrdreg s0  }
0x12: {  	v1 =	vshrl.u32 v0, $0x3;
	[dreg:$0x5] =	wrdreg s20;
	s0 =	sadd.s32 s26, s1;
	s1 =	simm.s32 $0x4  }
0x13: {  	vm0 =	vmmov $0xffff;
	v0 =	vand.u32 $0x7, v0;
	v1 =	vmul.u32 $0x8, v1;
	s20 =	simm.s32 $0x3;
	s21 =	sadd.s32 s28, s0;
	s0 =	simm.s32 $0x6  }
.LBB2_7:
0x14: {  	s22 =	simm.s32 $0x5  }
0x15: {  	_ =	swait.ge [sflag:s22], $0x8000  }
0x16: {  	[sflag:s22] =	ssyncset.done $0x0  }
0x17: {  	[sflag:s22] =	ssyncadd.s32 $0xFFFF8000  }
0x18: {  	_ =	swait.ge [sflag:s0], $0x8000  }
0x19: {  	[sflag:s0] =	ssyncset.done $0x0  }
0x1a: {  	[sflag:s0] =	ssyncadd.s32 $0xFFFF8000  }
0x1b: {  	_ =	swait.ge [sflag:s1], $0x8000  }
0x1c: {  	s25 =	rddreg [dreg:$0x6]  }
0x1d: {  	s28 =	rddreg [dreg:$0x5];
	s25 =	sadd.s32 $0x1, s25  }
0x1e: {  	p0 =	sne.s32 s25, s28  }
.Ltmp1:
0x1f: {  	_ = 	snop;
	(pc) =	sbr.rel @!p0 .LBB2_8-.Ltmp1, $3  }
0x20: {  	_ =	sdelay $0x1  }
0x21: {  	[sflag:s1] =	ssyncset.done $0x0  }
0x22: {  	s24 =	simm.s32 $0xA000;
	[sflag:s1] =	ssyncadd.s32 $0xFFFF8000  }
.LBB2_1:
0x23: {  	[dreg:$0x6] =	wrdreg s25  }
0x24: {  	s22 =	rddreg [dreg:$0x4];
	s25 =	simm.s32 $0x7  }
0x25: {  	[tilespmem:s3], [sflag:$0x7] =	stream.linear.gather [hbm4b:s22+s3], $0x2000, $0x38;
	[tilespmem:$0x1A000] =	vst v63  }
0x26: {  	_ =	swait.ge [sflag:s25], $0x2000  }
0x27: {  	[sflag:s25] =	ssyncset.done $0x0  }
0x28: {  	[sflag:s25] =	ssyncadd.s32 $0xFFFFE000  }
0x29: {  	v2 =	vld.msk [tilespmem:$0x0], $0xff;
	_ =	sdelay $0x4  }
0x2a: {  	v3 =	vshll.u32 v2, $0x5  }
0x2b: {  	v2 =	vand.u32 $0x7, v2;
	v3 =	vand.u32 $0xFFFFFF00, v3  }
0x2c: {  	v2 =	vor.u32 v2, v3  }
0x2d: {  	v2 =	vperm.xlane v2, v0;
	_ =	sdelay $0x1  }
0x2e: {  	v2 =	vadd.s32 v1, v2;
	_ =	sdelay $0x4  }
0x2f: {  	[tilespmem:s23], [sflag:$0x1] =	stream.indirect_vreg.gather [hbm4b:s31+s3], $0x80, v2, vm0, $0xb8;
	[tilespmem:$0x1A000] =	vst v63  }
0x30: {  	s26 =	simm.s32 $0x2800  }
0x31: {  	[tilespmem:s26], [sflag:$0x1] =	stream.indirect_vreg.gather [hbm4b:s5+s3], $0x80, v2, vm0, $0xb8;
	[tilespmem:$0x1A000] =	vst v63  }
0x32: {  	s28 =	simm.s32 $0x3000  }
0x33: {  	[tilespmem:s28], [sflag:$0x1] =	stream.indirect_vreg.gather [hbm4b:s6+s3], $0x80, v2, vm0, $0xb8;
	[tilespmem:$0x1A000] =	vst v63  }
0x34: {  	s25 =	simm.s32 $0x3800  }
0x35: {  	[tilespmem:s25], [sflag:$0x1] =	stream.indirect_vreg.gather [hbm4b:s7+s3], $0x80, v2, vm0, $0xb8;
	[tilespmem:$0x1A000] =	vst v63  }
0x36: {  	s26 =	simm.s32 $0x4000  }
0x37: {  	[tilespmem:s26], [sflag:$0x1] =	stream.indirect_vreg.gather [hbm4b:s8+s3], $0x80, v2, vm0, $0xb8;
	[tilespmem:$0x1A000] =	vst v63  }
0x38: {  	s28 =	simm.s32 $0x4800  }
0x39: {  	[tilespmem:s28], [sflag:$0x1] =	stream.indirect_vreg.gather [hbm4b:s9+s3], $0x80, v2, vm0, $0xb8;
	[tilespmem:$0x1A000] =	vst v63  }
0x3a: {  	s25 =	simm.s32 $0x5000  }
0x3b: {  	[tilespmem:s25], [sflag:$0x1] =	stream.indirect_vreg.gather [hbm4b:s10+s3], $0x80, v2, vm0, $0xb8;
	[tilespmem:$0x1A000] =	vst v63  }
0x3c: {  	s26 =	simm.s32 $0x5800  }
0x3d: {  	[tilespmem:s26], [sflag:$0x1] =	stream.indirect_vreg.gather [hbm4b:s11+s3], $0x80, v2, vm0, $0xb8;
	[tilespmem:$0x1A000] =	vst v63  }
0x3e: {  	s28 =	simm.s32 $0x6000  }
0x3f: {  	[tilespmem:s28], [sflag:$0x1] =	stream.indirect_vreg.gather [hbm4b:s12+s3], $0x80, v2, vm0, $0xb8;
	[tilespmem:$0x1A000] =	vst v63  }
0x40: {  	s25 =	simm.s32 $0x6800  }
0x41: {  	[tilespmem:s25], [sflag:$0x1] =	stream.indirect_vreg.gather [hbm4b:s13+s3], $0x80, v2, vm0, $0xb8;
	[tilespmem:$0x1A000] =	vst v63  }
0x42: {  	s26 =	simm.s32 $0x7000  }
0x43: {  	[tilespmem:s26], [sflag:$0x1] =	stream.indirect_vreg.gather [hbm4b:s14+s3], $0x80, v2, vm0, $0xb8;
	[tilespmem:$0x1A000] =	vst v63  }
0x44: {  	s28 =	simm.s32 $0x7800  }
0x45: {  	[tilespmem:s28], [sflag:$0x1] =	stream.indirect_vreg.gather [hbm4b:s15+s3], $0x80, v2, vm0, $0xb8;
	[tilespmem:$0x1A000] =	vst v63  }
0x46: {  	s25 =	simm.s32 $0x8000  }
0x47: {  	[tilespmem:s25], [sflag:$0x1] =	stream.indirect_vreg.gather [hbm4b:s16+s3], $0x80, v2, vm0, $0xb8;
	[tilespmem:$0x1A000] =	vst v63  }
0x48: {  	s26 =	simm.s32 $0x8800  }
0x49: {  	[tilespmem:s26], [sflag:$0x1] =	stream.indirect_vreg.gather [hbm4b:s17+s3], $0x80, v2, vm0, $0xb8;
	[tilespmem:$0x1A000] =	vst v63  }
0x4a: {  	s28 =	simm.s32 $0x9000  }
0x4b: {  	[tilespmem:s28], [sflag:$0x1] =	stream.indirect_vreg.gather [hbm4b:s18+s3], $0x80, v2, vm0, $0xb8;
	[tilespmem:$0x1A000] =	vst v63  }
0x4c: {  	s25 =	simm.s32 $0x9800  }
0x4d: {  	[tilespmem:s25], [sflag:$0x1] =	stream.indirect_vreg.gather [hbm4b:s19+s3], $0x80, v2, vm0, $0xb8;
	[tilespmem:$0x1A000] =	vst v63  }
0x4e: {  	v2 =	vld.msk [tilespmem:$0x80], $0xff;
	_ =	sdelay $0x4  }
0x4f: {  	v3 =	vshll.u32 v2, $0x5  }
0x50: {  	v2 =	vand.u32 $0x7, v2;
	v3 =	vand.u32 $0xFFFFFF00, v3  }
0x51: {  	v2 =	vor.u32 v2, v3  }
0x52: {  	v2 =	vperm.xlane v2, v0;
	_ =	sdelay $0x1  }
0x53: {  	v2 =	vadd.s32 v1, v2;
	_ =	sdelay $0x4  }
0x54: {  	[tilespmem:s24], [sflag:$0x2] =	stream.indirect_vreg.gather [hbm4b:s31+s3], $0x80, v2, vm0, $0xb8;
	[tilespmem:$0x1A000] =	vst v63  }
0x55: {  	s26 =	simm.s32 $0xA800  }
0x56: {  	[tilespmem:s26], [sflag:$0x2] =	stream.indirect_vreg.gather [hbm4b:s5+s3], $0x80, v2, vm0, $0xb8;
	[tilespmem:$0x1A000] =	vst v63  }
0x57: {  	s28 =	simm.s32 $0xB000  }
0x58: {  	[tilespmem:s28], [sflag:$0x2] =	stream.indirect_vreg.gather [hbm4b:s6+s3], $0x80, v2, vm0, $0xb8;
	[tilespmem:$0x1A000] =	vst v63  }
0x59: {  	s24 =	simm.s32 $0xB800  }
0x5a: {  	[tilespmem:s24], [sflag:$0x2] =	stream.indirect_vreg.gather [hbm4b:s7+s3], $0x80, v2, vm0, $0xb8;
	[tilespmem:$0x1A000] =	vst v63  }
0x5b: {  	s25 =	simm.s32 $0xC000  }
0x5c: {  	[tilespmem:s25], [sflag:$0x2] =	stream.indirect_vreg.gather [hbm4b:s8+s3], $0x80, v2, vm0, $0xb8;
	[tilespmem:$0x1A000] =	vst v63  }
0x5d: {  	s26 =	simm.s32 $0xC800  }
0x5e: {  	[tilespmem:s26], [sflag:$0x2] =	stream.indirect_vreg.gather [hbm4b:s9+s3], $0x80, v2, vm0, $0xb8;
	[tilespmem:$0x1A000] =	vst v63  }
0x5f: {  	s28 =	simm.s32 $0xD000  }
0x60: {  	[tilespmem:s28], [sflag:$0x2] =	stream.indirect_vreg.gather [hbm4b:s10+s3], $0x80, v2, vm0, $0xb8;
	[tilespmem:$0x1A000] =	vst v63  }
0x61: {  	s24 =	simm.s32 $0xD800  }
0x62: {  	[tilespmem:s24], [sflag:$0x2] =	stream.indirect_vreg.gather [hbm4b:s11+s3], $0x80, v2, vm0, $0xb8;
	[tilespmem:$0x1A000] =	vst v63  }
0x63: {  	s25 =	simm.s32 $0xE000  }
0x64: {  	[tilespmem:s25], [sflag:$0x2] =	stream.indirect_vreg.gather [hbm4b:s12+s3], $0x80, v2, vm0, $0xb8;
	[tilespmem:$0x1A000] =	vst v63  }
0x65: {  	s26 =	simm.s32 $0xE800  }
0x66: {  	[tilespmem:s26], [sflag:$0x2] =	stream.indirect_vreg.gather [hbm4b:s13+s3], $0x80, v2, vm0, $0xb8;
	[tilespmem:$0x1A000] =	vst v63  }
0x67: {  	s28 =	simm.s32 $0xF000  }
0x68: {  	[tilespmem:s28], [sflag:$0x2] =	stream.indirect_vreg.gather [hbm4b:s14+s3], $0x80, v2, vm0, $0xb8;
	[tilespmem:$0x1A000] =	vst v63  }
0x69: {  	s24 =	simm.s32 $0xF800  }
0x6a: {  	[tilespmem:s24], [sflag:$0x2] =	stream.indirect_vreg.gather [hbm4b:s15+s3], $0x80, v2, vm0, $0xb8;
	[tilespmem:$0x1A000] =	vst v63  }
0x6b: {  	s25 =	simm.s32 $0x10000  }
0x6c: {  	[tilespmem:s25], [sflag:$0x2] =	stream.indirect_vreg.gather [hbm4b:s16+s3], $0x80, v2, vm0, $0xb8;
	[tilespmem:$0x1A000] =	vst v63  }
0x6d: {  	s26 =	simm.s32 $0x10800  }
0x6e: {  	[tilespmem:s26], [sflag:$0x2] =	stream.indirect_vreg.gather [hbm4b:s17+s3], $0x80, v2, vm0, $0xb8;
	[tilespmem:$0x1A000] =	vst v63  }
0x6f: {  	s28 =	simm.s32 $0x11000  }
0x70: {  	[tilespmem:s28], [sflag:$0x2] =	stream.indirect_vreg.gather [hbm4b:s18+s3], $0x80, v2, vm0, $0xb8;
	[tilespmem:$0x1A000] =	vst v63  }
0x71: {  	s24 =	simm.s32 $0x11800  }
0x72: {  	[tilespmem:s24], [sflag:$0x2] =	stream.indirect_vreg.gather [hbm4b:s19+s3], $0x80, v2, vm0, $0xb8;
	[tilespmem:$0x1A000] =	vst v63  }
0x73: {  	v2 =	vld.msk [tilespmem:$0x100], $0xff;
	_ =	sdelay $0x4  }
0x74: {  	v3 =	vshll.u32 v2, $0x5  }
0x75: {  	v2 =	vand.u32 $0x7, v2;
	v3 =	vand.u32 $0xFFFFFF00, v3  }
0x76: {  	v2 =	vor.u32 v2, v3  }
0x77: {  	v2 =	vperm.xlane v2, v0;
	_ =	sdelay $0x1  }
0x78: {  	v2 =	vadd.s32 v1, v2;
	_ =	sdelay $0x4  }
0x79: {  	[tilespmem:s2], [sflag:$0x3] =	stream.indirect_vreg.gather [hbm4b:s31+s3], $0x80, v2, vm0, $0xb8;
	[tilespmem:$0x1A000] =	vst v63  }
0x7a: {  	s25 =	simm.s32 $0x12800  }
0x7b: {  	[tilespmem:s25], [sflag:$0x3] =	stream.indirect_vreg.gather [hbm4b:s5+s3], $0x80, v2, vm0, $0xb8;
	[tilespmem:$0x1A000] =	vst v63  }
0x7c: {  	s26 =	simm.s32 $0x13000  }
0x7d: {  	[tilespmem:s26], [sflag:$0x3] =	stream.indirect_vreg.gather [hbm4b:s6+s3], $0x80, v2, vm0, $0xb8;
	[tilespmem:$0x1A000] =	vst v63  }
0x7e: {  	s28 =	simm.s32 $0x13800  }
0x7f: {  	[tilespmem:s28], [sflag:$0x3] =	stream.indirect_vreg.gather [hbm4b:s7+s3], $0x80, v2, vm0, $0xb8;
	[tilespmem:$0x1A000] =	vst v63  }
0x80: {  	s24 =	simm.s32 $0x14000  }
0x81: {  	[tilespmem:s24], [sflag:$0x3] =	stream.indirect_vreg.gather [hbm4b:s8+s3], $0x80, v2, vm0, $0xb8;
	[tilespmem:$0x1A000] =	vst v63  }
0x82: {  	s25 =	simm.s32 $0x14800  }
0x83: {  	[tilespmem:s25], [sflag:$0x3] =	stream.indirect_vreg.gather [hbm4b:s9+s3], $0x80, v2, vm0, $0xb8;
	[tilespmem:$0x1A000] =	vst v63  }
0x84: {  	s26 =	simm.s32 $0x15000  }
0x85: {  	[tilespmem:s26], [sflag:$0x3] =	stream.indirect_vreg.gather [hbm4b:s10+s3], $0x80, v2, vm0, $0xb8;
	[tilespmem:$0x1A000] =	vst v63  }
0x86: {  	s28 =	simm.s32 $0x15800  }
0x87: {  	[tilespmem:s28], [sflag:$0x3] =	stream.indirect_vreg.gather [hbm4b:s11+s3], $0x80, v2, vm0, $0xb8;
	[tilespmem:$0x1A000] =	vst v63  }
0x88: {  	s24 =	simm.s32 $0x16000  }
0x89: {  	[tilespmem:s24], [sflag:$0x3] =	stream.indirect_vreg.gather [hbm4b:s12+s3], $0x80, v2, vm0, $0xb8;
	[tilespmem:$0x1A000] =	vst v63  }
0x8a: {  	s25 =	simm.s32 $0x16800  }
0x8b: {  	[tilespmem:s25], [sflag:$0x3] =	stream.indirect_vreg.gather [hbm4b:s13+s3], $0x80, v2, vm0, $0xb8;
	[tilespmem:$0x1A000] =	vst v63  }
0x8c: {  	s26 =	simm.s32 $0x17000  }
0x8d: {  	[tilespmem:s26], [sflag:$0x3] =	stream.indirect_vreg.gather [hbm4b:s14+s3], $0x80, v2, vm0, $0xb8;
	[tilespmem:$0x1A000] =	vst v63  }
0x8e: {  	s28 =	simm.s32 $0x17800  }
0x8f: {  	[tilespmem:s28], [sflag:$0x3] =	stream.indirect_vreg.gather [hbm4b:s15+s3], $0x80, v2, vm0, $0xb8;
	[tilespmem:$0x1A000] =	vst v63  }
0x90: {  	s24 =	simm.s32 $0x18000  }
0x91: {  	[tilespmem:s24], [sflag:$0x3] =	stream.indirect_vreg.gather [hbm4b:s16+s3], $0x80, v2, vm0, $0xb8;
	[tilespmem:$0x1A000] =	vst v63  }
0x92: {  	s25 =	simm.s32 $0x18800  }
0x93: {  	[tilespmem:s25], [sflag:$0x3] =	stream.indirect_vreg.gather [hbm4b:s17+s3], $0x80, v2, vm0, $0xb8;
	[tilespmem:$0x1A000] =	vst v63  }
.Ltmp2:
0x94: {  	_ = 	snop;
	(pc) =	sbr.rel .LBB2_2-.Ltmp2, $4  }
0x95: {  	s22 =	simm.s32 $0x0;
	s26 =	simm.s32 $0x19000  }
0x96: {  	[tilespmem:s26], [sflag:$0x3] =	stream.indirect_vreg.gather [hbm4b:s18+s3], $0x80, v2, vm0, $0xb8;
	[tilespmem:$0x1A000] =	vst v63  }
0x97: {  	s28 =	simm.s32 $0x19800;
	s24 =	simm.s32 $0x280;
	s25 =	simm.s32 $0x0  }
0x98: {  	[tilespmem:s28], [sflag:$0x3] =	stream.indirect_vreg.gather [hbm4b:s19+s3], $0x80, v2, vm0, $0xb8;
	[tilespmem:$0x1A000] =	vst v63  }
.LBB2_5:
0x99: {  	_ =	swait.ge [sflag:s20], $0x8000  }
0x9a: {  	[sflag:s20] =	ssyncset.done $0x0  }
0x9b: {  	s26 =	sadd.s32 $0x2000, s26;
	[sflag:s20] =	ssyncadd.s32 $0xFFFF8000  }
0x9c: {  	[hbm4b:s26+s3] =	stream.linear.scatter [tilespmem:s2], [sflag:$0x6], $0x8000, $0x38;
	[tilespmem:$0x1A000] =	vst v63  }
.LBB2_6:
0x9d: {  	s25 =	sadd.s32 $0x3000, s25  }
0x9e: {  	p0 =	sne.s32 s25, $0x42000  }
.Ltmp3:
0x9f: {  	_ = 	snop;
	(pc) =	sbr.rel @!p0 .LBB2_7-.Ltmp3, $2  }
0xa0: {  	_ =	sdelay $0x2  }
0xa1: {  	s22 =	sadd.s32 $0x1, s22;
	s24 =	sadd.s32 $0x180, s24  }
.LBB2_2:
0xa2: {  	p0 =	seq.s32 s25, $0x3F000  }
.Ltmp4:
0xa3: {  	_ = 	snop;
	(pc) =	sbr.rel @p0 .LBB2_7-.Ltmp4, $4  }
0xa4: {  	_ =	swait.ge [sflag:s30], $0x8000  }
0xa5: {  	[sflag:s30] =	ssyncset.done $0x0  }
0xa6: {  	s26 =	sadd.s32 s25, s21;
	[sflag:s30] =	ssyncadd.s32 $0xFFFF8000  }
0xa7: {  	[hbm4b:s26+s3] =	stream.linear.scatter [tilespmem:s23], [sflag:$0x4], $0x8000, $0x38;
	[tilespmem:$0x1A000] =	vst v63  }
0xa8: {  	_ =	swait.ge [sflag:s1], $0x8000  }
0xa9: {  	[sflag:s1] =	ssyncset.done $0x0  }
0xaa: {  	[sflag:s1] =	ssyncadd.s32 $0xFFFF8000  }
0xab: {  	v2 =	vld.msk [tilespmem:s24+$0xFFFFFF00], $0xff;
	_ =	sdelay $0x4  }
0xac: {  	v3 =	vshll.u32 v2, $0x5  }
0xad: {  	v2 =	vand.u32 $0x7, v2;
	v3 =	vand.u32 $0xFFFFFF00, v3  }
0xae: {  	v2 =	vor.u32 v2, v3  }
0xaf: {  	v2 =	vperm.xlane v2, v0;
	_ =	sdelay $0x1  }
0xb0: {  	v2 =	vadd.s32 v1, v2;
	_ =	sdelay $0x4  }
0xb1: {  	[tilespmem:s23], [sflag:$0x1] =	stream.indirect_vreg.gather [hbm4b:s31+s3], $0x80, v2, vm0, $0xb8;
	[tilespmem:$0x1A000] =	vst v63  }
0xb2: {  	s28 =	simm.s32 $0x2800  }
0xb3: {  	[tilespmem:s28], [sflag:$0x1] =	stream.indirect_vreg.gather [hbm4b:s5+s3], $0x80, v2, vm0, $0xb8;
	[tilespmem:$0x1A000] =	vst v63  }
0xb4: {  	s28 =	simm.s32 $0x3000  }
0xb5: {  	[tilespmem:s28], [sflag:$0x1] =	stream.indirect_vreg.gather [hbm4b:s6+s3], $0x80, v2, vm0, $0xb8;
	[tilespmem:$0x1A000] =	vst v63  }
0xb6: {  	s28 =	simm.s32 $0x3800  }
0xb7: {  	[tilespmem:s28], [sflag:$0x1] =	stream.indirect_vreg.gather [hbm4b:s7+s3], $0x80, v2, vm0, $0xb8;
	[tilespmem:$0x1A000] =	vst v63  }
0xb8: {  	s28 =	simm.s32 $0x4000  }
0xb9: {  	[tilespmem:s28], [sflag:$0x1] =	stream.indirect_vreg.gather [hbm4b:s8+s3], $0x80, v2, vm0, $0xb8;
	[tilespmem:$0x1A000] =	vst v63  }
0xba: {  	s28 =	simm.s32 $0x4800  }
0xbb: {  	[tilespmem:s28], [sflag:$0x1] =	stream.indirect_vreg.gather [hbm4b:s9+s3], $0x80, v2, vm0, $0xb8;
	[tilespmem:$0x1A000] =	vst v63  }
0xbc: {  	s28 =	simm.s32 $0x5000  }
0xbd: {  	[tilespmem:s28], [sflag:$0x1] =	stream.indirect_vreg.gather [hbm4b:s10+s3], $0x80, v2, vm0, $0xb8;
	[tilespmem:$0x1A000] =	vst v63  }
0xbe: {  	s28 =	simm.s32 $0x5800  }
0xbf: {  	[tilespmem:s28], [sflag:$0x1] =	stream.indirect_vreg.gather [hbm4b:s11+s3], $0x80, v2, vm0, $0xb8;
	[tilespmem:$0x1A000] =	vst v63  }
0xc0: {  	s28 =	simm.s32 $0x6000  }
0xc1: {  	[tilespmem:s28], [sflag:$0x1] =	stream.indirect_vreg.gather [hbm4b:s12+s3], $0x80, v2, vm0, $0xb8;
	[tilespmem:$0x1A000] =	vst v63  }
0xc2: {  	s28 =	simm.s32 $0x6800  }
0xc3: {  	[tilespmem:s28], [sflag:$0x1] =	stream.indirect_vreg.gather [hbm4b:s13+s3], $0x80, v2, vm0, $0xb8;
	[tilespmem:$0x1A000] =	vst v63  }
0xc4: {  	s28 =	simm.s32 $0x7000  }
0xc5: {  	[tilespmem:s28], [sflag:$0x1] =	stream.indirect_vreg.gather [hbm4b:s14+s3], $0x80, v2, vm0, $0xb8;
	[tilespmem:$0x1A000] =	vst v63  }
0xc6: {  	s28 =	simm.s32 $0x7800  }
0xc7: {  	[tilespmem:s28], [sflag:$0x1] =	stream.indirect_vreg.gather [hbm4b:s15+s3], $0x80, v2, vm0, $0xb8;
	[tilespmem:$0x1A000] =	vst v63  }
0xc8: {  	s28 =	simm.s32 $0x8000  }
0xc9: {  	[tilespmem:s28], [sflag:$0x1] =	stream.indirect_vreg.gather [hbm4b:s16+s3], $0x80, v2, vm0, $0xb8;
	[tilespmem:$0x1A000] =	vst v63  }
0xca: {  	s28 =	simm.s32 $0x8800  }
0xcb: {  	[tilespmem:s28], [sflag:$0x1] =	stream.indirect_vreg.gather [hbm4b:s17+s3], $0x80, v2, vm0, $0xb8;
	[tilespmem:$0x1A000] =	vst v63  }
0xcc: {  	s28 =	simm.s32 $0x9000  }
0xcd: {  	[tilespmem:s28], [sflag:$0x1] =	stream.indirect_vreg.gather [hbm4b:s18+s3], $0x80, v2, vm0, $0xb8;
	[tilespmem:$0x1A000] =	vst v63  }
0xce: {  	p0 =	sgt.u32 s22, $0x13;
	s28 =	simm.s32 $0x9800  }
0xcf: {  	[tilespmem:s28], [sflag:$0x1] =	stream.indirect_vreg.gather [hbm4b:s19+s3], $0x80, v2, vm0, $0xb8;
	[tilespmem:$0x1A000] =	vst v63  }
.Ltmp5:
0xd0: {  	_ =	swait.ge [sflag:s4], $0x8000;
	(pc) =	sbr.rel @p0 .LBB2_5-.Ltmp5, $4  }
0xd1: {  	[sflag:s4] =	ssyncset.done $0x0  }
0xd2: {  	s28 =	sadd.s32 $0x1000, s26;
	[sflag:s4] =	ssyncadd.s32 $0xFFFF8000  }
0xd3: {  	[hbm4b:s28+s3] =	stream.linear.scatter [tilespmem:s29], [sflag:$0x5], $0x8000, $0x38;
	[tilespmem:$0x1A000] =	vst v63  }
0xd4: {  	s28 =	simm.s32 $0xA000  }
0xd5: {  	s2 =	simm.s32 $0x5  }
0xd6: {  	_ =	swait.ge [sflag:s2], $0x8000  }
0xd7: {  	[sflag:s2] =	ssyncset.done $0x0  }
0xd8: {  	[sflag:s2] =	ssyncadd.s32 $0xFFFF8000  }
0xd9: {  	v2 =	vld.msk [tilespmem:s24+$0xFFFFFF80], $0xff;
	_ =	sdelay $0x4  }
0xda: {  	v3 =	vshll.u32 v2, $0x5  }
0xdb: {  	v2 =	vand.u32 $0x7, v2;
	v3 =	vand.u32 $0xFFFFFF00, v3  }
0xdc: {  	v2 =	vor.u32 v2, v3  }
0xdd: {  	v2 =	vperm.xlane v2, v0;
	_ =	sdelay $0x1  }
0xde: {  	v2 =	vadd.s32 v1, v2;
	_ =	sdelay $0x4  }
0xdf: {  	[tilespmem:s28], [sflag:$0x2] =	stream.indirect_vreg.gather [hbm4b:s31+s3], $0x80, v2, vm0, $0xb8;
	[tilespmem:$0x1A000] =	vst v63  }
0xe0: {  	s2 =	simm.s32 $0xA800  }
0xe1: {  	[tilespmem:s2], [sflag:$0x2] =	stream.indirect_vreg.gather [hbm4b:s5+s3], $0x80, v2, vm0, $0xb8;
	[tilespmem:$0x1A000] =	vst v63  }
0xe2: {  	s2 =	simm.s32 $0xB000  }
0xe3: {  	[tilespmem:s2], [sflag:$0x2] =	stream.indirect_vreg.gather [hbm4b:s6+s3], $0x80, v2, vm0, $0xb8;
	[tilespmem:$0x1A000] =	vst v63  }
0xe4: {  	s2 =	simm.s32 $0xB800  }
0xe5: {  	[tilespmem:s2], [sflag:$0x2] =	stream.indirect_vreg.gather [hbm4b:s7+s3], $0x80, v2, vm0, $0xb8;
	[tilespmem:$0x1A000] =	vst v63  }
0xe6: {  	s2 =	simm.s32 $0xC000  }
0xe7: {  	[tilespmem:s2], [sflag:$0x2] =	stream.indirect_vreg.gather [hbm4b:s8+s3], $0x80, v2, vm0, $0xb8;
	[tilespmem:$0x1A000] =	vst v63  }
0xe8: {  	s2 =	simm.s32 $0xC800  }
0xe9: {  	[tilespmem:s2], [sflag:$0x2] =	stream.indirect_vreg.gather [hbm4b:s9+s3], $0x80, v2, vm0, $0xb8;
	[tilespmem:$0x1A000] =	vst v63  }
0xea: {  	s2 =	simm.s32 $0xD000  }
0xeb: {  	[tilespmem:s2], [sflag:$0x2] =	stream.indirect_vreg.gather [hbm4b:s10+s3], $0x80, v2, vm0, $0xb8;
	[tilespmem:$0x1A000] =	vst v63  }
0xec: {  	s2 =	simm.s32 $0xD800  }
0xed: {  	[tilespmem:s2], [sflag:$0x2] =	stream.indirect_vreg.gather [hbm4b:s11+s3], $0x80, v2, vm0, $0xb8;
	[tilespmem:$0x1A000] =	vst v63  }
0xee: {  	s2 =	simm.s32 $0xE000  }
0xef: {  	[tilespmem:s2], [sflag:$0x2] =	stream.indirect_vreg.gather [hbm4b:s12+s3], $0x80, v2, vm0, $0xb8;
	[tilespmem:$0x1A000] =	vst v63  }
0xf0: {  	s2 =	simm.s32 $0xE800  }
0xf1: {  	[tilespmem:s2], [sflag:$0x2] =	stream.indirect_vreg.gather [hbm4b:s13+s3], $0x80, v2, vm0, $0xb8;
	[tilespmem:$0x1A000] =	vst v63  }
0xf2: {  	s2 =	simm.s32 $0xF000  }
0xf3: {  	[tilespmem:s2], [sflag:$0x2] =	stream.indirect_vreg.gather [hbm4b:s14+s3], $0x80, v2, vm0, $0xb8;
	[tilespmem:$0x1A000] =	vst v63  }
0xf4: {  	s2 =	simm.s32 $0xF800  }
0xf5: {  	[tilespmem:s2], [sflag:$0x2] =	stream.indirect_vreg.gather [hbm4b:s15+s3], $0x80, v2, vm0, $0xb8;
	[tilespmem:$0x1A000] =	vst v63  }
0xf6: {  	s2 =	simm.s32 $0x10000  }
0xf7: {  	[tilespmem:s2], [sflag:$0x2] =	stream.indirect_vreg.gather [hbm4b:s16+s3], $0x80, v2, vm0, $0xb8;
	[tilespmem:$0x1A000] =	vst v63  }
0xf8: {  	s2 =	simm.s32 $0x10800  }
0xf9: {  	[tilespmem:s2], [sflag:$0x2] =	stream.indirect_vreg.gather [hbm4b:s17+s3], $0x80, v2, vm0, $0xb8;
	[tilespmem:$0x1A000] =	vst v63  }
0xfa: {  	s2 =	simm.s32 $0x11000  }
0xfb: {  	[tilespmem:s2], [sflag:$0x2] =	stream.indirect_vreg.gather [hbm4b:s18+s3], $0x80, v2, vm0, $0xb8;
	[tilespmem:$0x1A000] =	vst v63  }
0xfc: {  	s2 =	simm.s32 $0x11800  }
0xfd: {  	[tilespmem:s2], [sflag:$0x2] =	stream.indirect_vreg.gather [hbm4b:s19+s3], $0x80, v2, vm0, $0xb8;
	[tilespmem:$0x1A000] =	vst v63  }
0xfe: {  	_ =	swait.ge [sflag:s20], $0x8000  }
0xff: {  	[sflag:s20] =	ssyncset.done $0x0  }
0x100: {  	s26 =	sadd.s32 $0x2000, s26;
	s28 =	simm.s32 $0x12000;
	[sflag:s20] =	ssyncadd.s32 $0xFFFF8000  }
0x101: {  	[hbm4b:s26+s3] =	stream.linear.scatter [tilespmem:s28], [sflag:$0x6], $0x8000, $0x38;
	[tilespmem:$0x1A000] =	vst v63  }
0x102: {  	_ =	swait.ge [sflag:s0], $0x8000  }
0x103: {  	[sflag:s0] =	ssyncset.done $0x0  }
0x104: {  	[sflag:s0] =	ssyncadd.s32 $0xFFFF8000  }
0x105: {  	v2 =	vld.msk [tilespmem:s24+$0x0], $0xff;
	_ =	sdelay $0x4  }
0x106: {  	v3 =	vshll.u32 v2, $0x5  }
0x107: {  	v2 =	vand.u32 $0x7, v2;
	v3 =	vand.u32 $0xFFFFFF00, v3  }
0x108: {  	v2 =	vor.u32 v2, v3  }
0x109: {  	v2 =	vperm.xlane v2, v0;
	_ =	sdelay $0x1  }
0x10a: {  	v2 =	vadd.s32 v1, v2;
	_ =	sdelay $0x4  }
0x10b: {  	[tilespmem:s28], [sflag:$0x3] =	stream.indirect_vreg.gather [hbm4b:s31+s3], $0x80, v2, vm0, $0xb8;
	[tilespmem:$0x1A000] =	vst v63  }
0x10c: {  	s28 =	simm.s32 $0x12800  }
0x10d: {  	[tilespmem:s28], [sflag:$0x3] =	stream.indirect_vreg.gather [hbm4b:s5+s3], $0x80, v2, vm0, $0xb8;
	[tilespmem:$0x1A000] =	vst v63  }
0x10e: {  	s28 =	simm.s32 $0x13000  }
0x10f: {  	[tilespmem:s28], [sflag:$0x3] =	stream.indirect_vreg.gather [hbm4b:s6+s3], $0x80, v2, vm0, $0xb8;
	[tilespmem:$0x1A000] =	vst v63  }
0x110: {  	s28 =	simm.s32 $0x13800  }
0x111: {  	[tilespmem:s28], [sflag:$0x3] =	stream.indirect_vreg.gather [hbm4b:s7+s3], $0x80, v2, vm0, $0xb8;
	[tilespmem:$0x1A000] =	vst v63  }
0x112: {  	s28 =	simm.s32 $0x14000  }
0x113: {  	[tilespmem:s28], [sflag:$0x3] =	stream.indirect_vreg.gather [hbm4b:s8+s3], $0x80, v2, vm0, $0xb8;
	[tilespmem:$0x1A000] =	vst v63  }
0x114: {  	s28 =	simm.s32 $0x14800  }
0x115: {  	[tilespmem:s28], [sflag:$0x3] =	stream.indirect_vreg.gather [hbm4b:s9+s3], $0x80, v2, vm0, $0xb8;
	[tilespmem:$0x1A000] =	vst v63  }
0x116: {  	s28 =	simm.s32 $0x15000  }
0x117: {  	[tilespmem:s28], [sflag:$0x3] =	stream.indirect_vreg.gather [hbm4b:s10+s3], $0x80, v2, vm0, $0xb8;
	[tilespmem:$0x1A000] =	vst v63  }
0x118: {  	s28 =	simm.s32 $0x15800  }
0x119: {  	[tilespmem:s28], [sflag:$0x3] =	stream.indirect_vreg.gather [hbm4b:s11+s3], $0x80, v2, vm0, $0xb8;
	[tilespmem:$0x1A000] =	vst v63  }
0x11a: {  	s28 =	simm.s32 $0x16000  }
0x11b: {  	[tilespmem:s28], [sflag:$0x3] =	stream.indirect_vreg.gather [hbm4b:s12+s3], $0x80, v2, vm0, $0xb8;
	[tilespmem:$0x1A000] =	vst v63  }
0x11c: {  	s28 =	simm.s32 $0x16800  }
0x11d: {  	[tilespmem:s28], [sflag:$0x3] =	stream.indirect_vreg.gather [hbm4b:s13+s3], $0x80, v2, vm0, $0xb8;
	[tilespmem:$0x1A000] =	vst v63  }
0x11e: {  	s28 =	simm.s32 $0x17000  }
0x11f: {  	[tilespmem:s28], [sflag:$0x3] =	stream.indirect_vreg.gather [hbm4b:s14+s3], $0x80, v2, vm0, $0xb8;
	[tilespmem:$0x1A000] =	vst v63  }
0x120: {  	s28 =	simm.s32 $0x17800  }
0x121: {  	[tilespmem:s28], [sflag:$0x3] =	stream.indirect_vreg.gather [hbm4b:s15+s3], $0x80, v2, vm0, $0xb8;
	[tilespmem:$0x1A000] =	vst v63  }
0x122: {  	s28 =	simm.s32 $0x18000  }
0x123: {  	[tilespmem:s28], [sflag:$0x3] =	stream.indirect_vreg.gather [hbm4b:s16+s3], $0x80, v2, vm0, $0xb8;
	[tilespmem:$0x1A000] =	vst v63  }
0x124: {  	s28 =	simm.s32 $0x18800  }
0x125: {  	[tilespmem:s28], [sflag:$0x3] =	stream.indirect_vreg.gather [hbm4b:s17+s3], $0x80, v2, vm0, $0xb8;
	[tilespmem:$0x1A000] =	vst v63  }
.Ltmp6:
0x126: {  	_ = 	snop;
	(pc) =	sbr.rel .LBB2_6-.Ltmp6, $4  }
0x127: {  	s28 =	simm.s32 $0x19000  }
0x128: {  	[tilespmem:s28], [sflag:$0x3] =	stream.indirect_vreg.gather [hbm4b:s18+s3], $0x80, v2, vm0, $0xb8;
	[tilespmem:$0x1A000] =	vst v63  }
0x129: {  	s2 =	simm.s32 $0x12000;
	s28 =	simm.s32 $0x19800  }
0x12a: {  	[tilespmem:s28], [sflag:$0x3] =	stream.indirect_vreg.gather [hbm4b:s19+s3], $0x80, v2, vm0, $0xb8;
	[tilespmem:$0x1A000] =	vst v63  }
.LBB2_8:
0x12b: {  	_ =	sfence.sel $0x180000  }
0x12c: {  	[bflag:$0x0] =	sbarrier.arrive $0xFFFF  }
0x12d: {  	_ =	strace $0x90000047  }
0x12e: {  	s0 =	stileid.u32;
	[bflag:$0x2] =	sbarrier.arrive $0xFFFF  }
0x12f: {  	p0 =	sne.s32 s0, $0x0;
	s0 =	rddreg [dreg:$0x3]  }
0x130: {  	s0 =	sadd.s32 @!p0 $0x100000, s0  }
0x131: {  	[sflag:s0] =	ssyncadd.tile.s32 @!p0 $0x1;
	_ =	shalt  }
.Lfunc_end2:
_tile_overlayer_lowered:
.L_overlay_start_2:
0x132: {  	(tag) =	ssettag $0x2  }
0x133: {  	s0 =	rddreg [dreg:$0x0];
	s2 =	stileid.u32  }
0x134: {  	s1 =	rddreg [dreg:$0x1];
	p0 =	sne.s32 s2, $0x0  }
0x135: {  	s3 =	rddreg [dreg:$0x2];
	[bflag:$0x3] =	sbarrier.arrive $0xFFFF;
	s2 =	simm.s32 @!p0 $0x1C07  }
0x136: {  	[timem:s3], [sflag:s2] =	dma.local @!p0 [hbm:s0], s1  }
0x137: {  	s0 =	simm.s32 @!p0 $0x7  }
0x138: {  	_ =	swait.ge @!p0 [sflag:s0], s1  }
0x139: {  	s1 =	ssub.s32 @!p0 $0x0, s1;
	[sflag:s0] =	ssyncset.done @!p0 $0x0  }
0x13a: {  	[sflag:s0] =	ssyncadd.s32 @!p0 s1  }
0x13b: {  	[bflag:$0x3] =	sbarrier.arrive $0xFFFF  }
0x13c: {  	_ =	shalt  }

</sc_bundles>
